<compile_context>
chip_gen: v7x
topology: tpu7x:2x2x1
jax: 0.10.2.dev20260603
libtpu: 0.0.44.dev20260713+nightly
codegen_flags: <defaults>
</compile_context>

<pallas_src>
import functools

import jax
import jax.numpy as jnp
from jax import lax
from jax.experimental import pallas as pl
from jax.experimental.pallas import tpu as pltpu
from jax.experimental.pallas import tpu_sc as plsc

N_NODES = 10000
N_EDGES = 320000
D_FEAT = 128
D_EDGE = 16
D_HALF = D_FEAT // 2
D_ACC = D_HALF + 16

NC = 2
NS = 16
CHUNK = 80
NCHUNK = N_EDGES // (NS * CHUNK)
IBLK = 10
NBLK = NCHUNK // IBLK
N_PAD = 10240
ROWS_PER_TILE = N_PAD // NS


def _sc_segment_sums(xext, src3, dst3, ea, z80, z16):
    mesh = plsc.VectorSubcoreMesh(core_axis_name="c", subcore_axis_name="s")

    @functools.partial(
        pl.kernel,
        out_type=[
            jax.ShapeDtypeStruct((NC, N_PAD, D_ACC), jnp.float32),
            jax.ShapeDtypeStruct((NC, N_PAD, D_EDGE), jnp.float32),
        ],
        mesh=mesh,
        compiler_params=pltpu.CompilerParams(use_tc_tiling_on_sc=False),
        scratch_types=[
            pltpu.VMEM((IBLK, CHUNK), jnp.int32),
            pltpu.VMEM((IBLK, CHUNK), jnp.int32),
            pltpu.VMEM((2, CHUNK, D_ACC), jnp.float32),
            pltpu.VMEM((2, CHUNK, D_ACC), jnp.float32),
            pltpu.VMEM((IBLK * CHUNK, D_EDGE), jnp.float32),
            pltpu.VMEM_SHARED((N_PAD, D_ACC), jnp.float32),
            pltpu.VMEM_SHARED((N_PAD, D_EDGE), jnp.float32),
            pltpu.SemaphoreType.DMA,
            pltpu.SemaphoreType.DMA,
            pltpu.SemaphoreType.DMA,
            pltpu.SemaphoreType.DMA,
        ],
    )
    def k(x_hbm, src_hbm, dst_hbm, ea_hbm, z80_hbm, z16_hbm,
          px_hbm, pe_hbm,
          src_v, dst_v, rows0, rows1, e_v, acc, acc_e, sem0, sem1,
          ssem0, ssem1):
        c = lax.axis_index("c")
        s = lax.axis_index("s")
        base = s * ROWS_PER_TILE
        pltpu.sync_copy(z80_hbm.at[pl.ds(base, ROWS_PER_TILE)],
                        acc.at[pl.ds(base, ROWS_PER_TILE)])
        pltpu.sync_copy(z16_hbm.at[pl.ds(base, ROWS_PER_TILE)],
                        acc_e.at[pl.ds(base, ROWS_PER_TILE)])
        plsc.subcore_barrier()

        bufs = (rows0, rows1)
        sems = (sem0, sem1)
        ssems = (ssem0, ssem1)
        NPAIR = IBLK // 2
        off16 = jnp.full((16,), N_NODES, jnp.int32)

        def fire_pair(p):
            for h in range(2):
                pltpu.async_copy(x_hbm.at[src_v.at[2 * p + h]],
                                 bufs[p % 2].at[h], sems[p % 2])

        def scatter_start(p, h):
            pltpu.async_copy(bufs[p % 2].at[h],
                             acc.at[dst_v.at[2 * p + h]],
                             ssems[p % 2], add=True)

        def scatter_wait(p, h):
            pltpu.make_async_copy(bufs[p % 2].at[h],
                                  acc.at[dst_v.at[2 * p + h]],
                                  ssems[p % 2]).wait()

        @pl.loop(0, NBLK)
        def _(ob):
            pltpu.sync_copy(src_hbm.at[s, ob], src_v)
            pltpu.sync_copy(dst_hbm.at[s, ob], dst_v)
            pltpu.sync_copy(
                ea_hbm.at[pl.ds(s * (NCHUNK * CHUNK) + ob * (IBLK * CHUNK),
                                IBLK * CHUNK)], e_v)

            @pl.when(c == 1)
            def _():
                @pl.loop(0, IBLK)
                def _(i):
                    for v in range(CHUNK // 16):
                        sl = pl.ds(v * 16, 16)
                        src_v[i, sl] = src_v[i, sl] + off16

            fire_pair(0)
            for p in range(NPAIR):
                buf, sem = bufs[p % 2], sems[p % 2]
                for h in range(2):
                    pltpu.make_async_copy(x_hbm.at[src_v.at[2 * p + h]],
                                          buf.at[h], sem).wait()
                if p + 1 < NPAIR:
                    if p >= 1:
                        for h in range(2):
                            scatter_wait(p - 1, h)
                    fire_pair(p + 1)
                for h in range(2):
                    jj = 2 * p + h
                    scatter_start(p, h)

                    @pl.when((jj % 2) == c)
                    def _():
                        pltpu.sync_copy(e_v.at[pl.ds(jj * CHUNK, CHUNK)],
                                        acc_e.at[dst_v.at[jj]], add=True)
            for p in (NPAIR - 2, NPAIR - 1):
                for h in range(2):
                    scatter_wait(p, h)

        plsc.subcore_barrier()
        pltpu.sync_copy(acc.at[pl.ds(base, ROWS_PER_TILE)],
                        px_hbm.at[c, pl.ds(base, ROWS_PER_TILE)])
        pltpu.sync_copy(acc_e.at[pl.ds(base, ROWS_PER_TILE)],
                        pe_hbm.at[c, pl.ds(base, ROWS_PER_TILE)])

    return k(xext, src3, dst3, ea, z80, z16)


def _tc_body(x_ref, px_ref, pe_ref, ws_ref, we_ref, wf_ref, b_ref, o_ref):
    deg = px_ref[0, :, D_HALF:D_HALF + 1]
    pe = pe_ref[0] + pe_ref[1]
    agg = (jnp.dot(px_ref[0, :, 0:D_HALF], ws_ref[0:D_HALF, :],
                   preferred_element_type=jnp.float32)
           + jnp.dot(px_ref[1, :, 0:D_HALF], ws_ref[D_HALF:D_FEAT, :],
                     preferred_element_type=jnp.float32)
           + jnp.dot(pe, we_ref[...], preferred_element_type=jnp.float32))
    agg = agg / jnp.maximum(deg, 1.0)
    h = jnp.dot(x_ref[...], wf_ref[...], preferred_element_type=jnp.float32)
    o_ref[...] = jnp.maximum(h + agg + b_ref[...], 0.0)


def kernel(x, edge_index, edge_attr, W_src, W_edge, W_self, b):
    src3 = edge_index[0].reshape(NS, NBLK, IBLK, CHUNK)
    dst3 = edge_index[1].reshape(NS, NBLK, IBLK, CHUNK)
    xh = jnp.concatenate([x[:, :D_HALF], x[:, D_HALF:]], axis=0)
    xext = jnp.concatenate([xh, jnp.ones((NC * N_NODES, 16), jnp.float32)],
                           axis=1)
    z80 = jnp.zeros((N_PAD, D_ACC), jnp.float32)
    z16 = jnp.zeros((N_PAD, D_EDGE), jnp.float32)

    px, pe = _sc_segment_sums(xext, src3, dst3, edge_attr, z80, z16)

    R = 1000
    grid = (N_NODES // R,)
    out = pl.pallas_call(
        _tc_body,
        grid=grid,
        in_specs=[
            pl.BlockSpec((R, D_FEAT), lambda i: (i, 0)),
            pl.BlockSpec((NC, R, D_ACC), lambda i: (0, i, 0)),
            pl.BlockSpec((NC, R, D_EDGE), lambda i: (0, i, 0)),
            pl.BlockSpec((D_FEAT, D_FEAT), lambda i: (0, 0)),
            pl.BlockSpec((D_EDGE, D_FEAT), lambda i: (0, 0)),
            pl.BlockSpec((D_FEAT, D_FEAT), lambda i: (0, 0)),
            pl.BlockSpec((1, D_FEAT), lambda i: (0, 0)),
        ],
        out_specs=pl.BlockSpec((R, D_FEAT), lambda i: (i, 0)),
        out_shape=jax.ShapeDtypeStruct((N_NODES, D_FEAT), jnp.float32),
    )(x, px, pe, W_src, W_edge, W_self, b.reshape(1, D_FEAT))
    return out

# --- scband reference (transcript-rebuilt; emitter-appended) ---
"""Pipeline reference for scband-encoder-25280177504676 (READ-ONLY COPY).

The authoritative reference and input builder live on the scoring server;
editing this copy changes nothing except your own understanding.
"""

import jax, jax.numpy as jnp
import numpy as np

N_NODES = 10000
N_EDGES = 320000
D_FEAT = 128
D_EDGE = 16


def setup_inputs(seed: int = 0) -> dict:
    key = jax.random.key(seed)
    ks = jax.random.split(key, 8)
    x = jax.random.normal(ks[0], (N_NODES, D_FEAT), dtype=jnp.float32)
    edge_index = jax.random.randint(ks[1], (2, N_EDGES), 0, N_NODES, dtype=jnp.int32)
    edge_attr = jax.random.normal(ks[2], (N_EDGES, D_EDGE), dtype=jnp.float32)
    # learned parameters of the inner GNN encoder layer (encoder_params: in=128, out=128, edge_dim=16)
    W_src = jax.random.normal(ks[3], (D_FEAT, D_FEAT), dtype=jnp.float32) * (1.0 / np.sqrt(D_FEAT))
    W_edge = jax.random.normal(ks[4], (D_EDGE, D_FEAT), dtype=jnp.float32) * (1.0 / np.sqrt(D_EDGE))
    W_self = jax.random.normal(ks[5], (D_FEAT, D_FEAT), dtype=jnp.float32) * (1.0 / np.sqrt(D_FEAT))
    b = jnp.zeros((D_FEAT,), dtype=jnp.float32)
    return {"x": x, "edge_index": edge_index, "edge_attr": edge_attr,
            "W_src": W_src, "W_edge": W_edge, "W_self": W_self, "b": b}


def reference(x, edge_index, edge_attr, W_src, W_edge, W_self, b):
    # Message passing over the batched graph (DGL-style encoder):
    # message = Linear(src node feat) + Linear(edge feat)
    src = edge_index[0]
    dst = edge_index[1]
    msg = jnp.take(x, src, axis=0) @ W_src + edge_attr @ W_edge
    # scatter-add aggregation to destination nodes
    agg = jax.ops.segment_sum(msg, dst, num_segments=N_NODES)
    deg = jax.ops.segment_sum(jnp.ones((N_EDGES,), dtype=x.dtype), dst, num_segments=N_NODES)
    agg_norm = agg / jnp.maximum(deg, 1.0)[:, None]
    # combine with self features, nonlinearity -> encoded node features
    out = jax.nn.relu(x @ W_self + agg_norm + b)
    return out

if __name__ == "__main__":
    import jax
    _d = setup_inputs()
    print(jax.jit(kernel)(*tuple(_d.values())))

</pallas_src>

<mosaic_0001>
#map = affine_map<(d0, d1) -> (0, 0)>
#map1 = affine_map<(d0, d1) -> (0, 0, 0, 0)>
#map2 = affine_map<(d0, d1) -> (0, 0, 0)>
module attributes {stable_mosaic.version = 14 : i64} {
  func.func @k(%arg0: i32, %arg1: i32, %arg2: memref<20000x80xf32, #tpu.memory_space<hbm>>, %arg3: memref<16x25x10x80xi32, #tpu.memory_space<hbm>>, %arg4: memref<16x25x10x80xi32, #tpu.memory_space<hbm>>, %arg5: memref<320000x16xf32, #tpu.memory_space<hbm>>, %arg6: memref<10240x80xf32, #tpu.memory_space<hbm>>, %arg7: memref<10240x16xf32, #tpu.memory_space<hbm>>, %arg8: memref<2x10240x80xf32, #tpu.memory_space<hbm>>, %arg9: memref<2x10240x16xf32, #tpu.memory_space<hbm>>, %arg10: memref<10x80xi32, #tpu.memory_space<vmem>>, %arg11: memref<10x80xi32, #tpu.memory_space<vmem>>, %arg12: memref<2x80x80xf32, #tpu.memory_space<vmem>>, %arg13: memref<2x80x80xf32, #tpu.memory_space<vmem>>, %arg14: memref<800x16xf32, #tpu.memory_space<vmem>>, %arg15: memref<10240x80xf32, #tpu.memory_space<vmem_shared>>, %arg16: memref<10240x16xf32, #tpu.memory_space<vmem_shared>>, %arg17: memref<!tpu.dma_semaphore, #tpu.memory_space<semaphore_mem>>, %arg18: memref<!tpu.dma_semaphore, #tpu.memory_space<semaphore_mem>>, %arg19: memref<!tpu.dma_semaphore, #tpu.memory_space<semaphore_mem>>, %arg20: memref<!tpu.dma_semaphore, #tpu.memory_space<semaphore_mem>>) attributes {dimension_semantics = [#tpu.dimension_semantics<core_parallel>, #tpu.dimension_semantics<subcore_parallel>], iteration_bounds = array<i64: 2, 16>, scalar_prefetch = 0 : i64, scratch_operands = 11 : i64, tpu.core_type = #tpu.core_type<sc_vector_subcore>, window_params = [{transform_indices = #map}, {transform_indices = #map1}, {transform_indices = #map1}, {transform_indices = #map}, {transform_indices = #map}, {transform_indices = #map}, {transform_indices = #map2}, {transform_indices = #map2}]} {
    %mul3A = arith.constant 640 : i32
    %mul3A_0 = arith.muli %arg1, %mul3A : i32
    "tpu.region"() ({
      %run_scoped3A = tpu.sem_alloc : memref<!tpu.dma_semaphore, #tpu.memory_space<semaphore_mem>>
      %dma_start3A = arith.constant 0 : i32
      %dma_start3A_7 = tpu.memref_slice %arg15[%mul3A_0, %dma_start3A] : memref<10240x80xf32, #tpu.memory_space<vmem_shared>> -> memref<640x80xf32, #tpu.memory_space<vmem_shared>>
      %dma_start3A_8 = arith.constant 0 : i32
      %dma_start3A_9 = tpu.memref_slice %arg6[%mul3A_0, %dma_start3A_8] : memref<10240x80xf32, #tpu.memory_space<hbm>> -> memref<640x80xf32, #tpu.memory_space<hbm>>
      tpu.enqueue_dma source(%dma_start3A_9 : memref<640x80xf32, #tpu.memory_space<hbm>>) target(%dma_start3A_7 : memref<640x80xf32, #tpu.memory_space<vmem_shared>>) target_semaphore(%run_scoped3A : memref<!tpu.dma_semaphore, #tpu.memory_space<semaphore_mem>>)
      %dma_wait3A = arith.constant 0 : i32
      %dma_wait3A_10 = tpu.memref_slice %arg15[%mul3A_0, %dma_wait3A] : memref<10240x80xf32, #tpu.memory_space<vmem_shared>> -> memref<640x80xf32, #tpu.memory_space<vmem_shared>>
      %dma_wait3A_11 = arith.constant 0 : i32
      %dma_wait3A_12 = tpu.memref_slice %arg6[%mul3A_0, %dma_wait3A_11] : memref<10240x80xf32, #tpu.memory_space<hbm>> -> memref<640x80xf32, #tpu.memory_space<hbm>>
      tpu.wait_dma2 semaphore(%run_scoped3A : memref<!tpu.dma_semaphore, #tpu.memory_space<semaphore_mem>>) src(%dma_wait3A_12 : memref<640x80xf32, #tpu.memory_space<hbm>>) dst(%dma_wait3A_10 : memref<640x80xf32, #tpu.memory_space<vmem_shared>>)
      tpu.yield
    }) : () -> ()
    "tpu.region"() ({
      %run_scoped3A = tpu.sem_alloc : memref<!tpu.dma_semaphore, #tpu.memory_space<semaphore_mem>>
      %dma_start3A = arith.constant 0 : i32
      %dma_start3A_7 = tpu.memref_slice %arg16[%mul3A_0, %dma_start3A] : memref<10240x16xf32, #tpu.memory_space<vmem_shared>> -> memref<640x16xf32, #tpu.memory_space<vmem_shared>>
      %dma_start3A_8 = arith.constant 0 : i32
      %dma_start3A_9 = tpu.memref_slice %arg7[%mul3A_0, %dma_start3A_8] : memref<10240x16xf32, #tpu.memory_space<hbm>> -> memref<640x16xf32, #tpu.memory_space<hbm>>
      tpu.enqueue_dma source(%dma_start3A_9 : memref<640x16xf32, #tpu.memory_space<hbm>>) target(%dma_start3A_7 : memref<640x16xf32, #tpu.memory_space<vmem_shared>>) target_semaphore(%run_scoped3A : memref<!tpu.dma_semaphore, #tpu.memory_space<semaphore_mem>>)
      %dma_wait3A = arith.constant 0 : i32
      %dma_wait3A_10 = tpu.memref_slice %arg16[%mul3A_0, %dma_wait3A] : memref<10240x16xf32, #tpu.memory_space<vmem_shared>> -> memref<640x16xf32, #tpu.memory_space<vmem_shared>>
      %dma_wait3A_11 = arith.constant 0 : i32
      %dma_wait3A_12 = tpu.memref_slice %arg7[%mul3A_0, %dma_wait3A_11] : memref<10240x16xf32, #tpu.memory_space<hbm>> -> memref<640x16xf32, #tpu.memory_space<hbm>>
      tpu.wait_dma2 semaphore(%run_scoped3A : memref<!tpu.dma_semaphore, #tpu.memory_space<semaphore_mem>>) src(%dma_wait3A_12 : memref<640x16xf32, #tpu.memory_space<hbm>>) dst(%dma_wait3A_10 : memref<640x16xf32, #tpu.memory_space<vmem_shared>>)
      tpu.yield
    }) : () -> ()
    %barrier3A = arith.constant 0 : index
    tpu.barrier barrier_id(%barrier3A)
    %broadcast_in_dim3A = arith.constant 10000 : i32
    %broadcast_in_dim3A_1 = vector.broadcast %broadcast_in_dim3A : i32 to vector<16xi32>
    %scan3A = arith.constant 0 : i32
    %scan3A_2 = arith.constant 25 : i32
    %scan3A_3 = arith.addi %scan3A, %scan3A_2 : i32
    %scan3A_4 = arith.constant 1 : i32
    scf.for %scan3A_7 = %scan3A to %scan3A_3 step %scan3A_4  : i32 {
      %mul3A_8 = arith.constant 1 : i32
      %mul3A_9 = arith.muli %scan3A_7, %mul3A_8 : i32
      %add3A = arith.constant 0 : i32
      %add3A_10 = arith.addi %add3A, %mul3A_9 : i32
      "tpu.region"() ({
        %run_scoped3A = tpu.sem_alloc : memref<!tpu.dma_semaphore, #tpu.memory_space<semaphore_mem>>
        %dma_start3A_546 = arith.constant 0 : i32
        %dma_start3A_547 = arith.constant 0 : i32
        %dma_start3A_548 = tpu.memref_slice %arg3[%arg1, %add3A_10, %dma_start3A_546, %dma_start3A_547] : memref<16x25x10x80xi32, #tpu.memory_space<hbm>> -> memref<1x1x10x80xi32, #tpu.memory_space<hbm>>
        %dma_start3A_549 = tpu.memref_squeeze %dma_start3A_548 : memref<1x1x10x80xi32, #tpu.memory_space<hbm>> -> memref<10x80xi32, #tpu.memory_space<hbm>>
        %dma_start3A_550 = arith.constant 0 : i32
        %dma_start3A_551 = arith.constant 0 : i32
        %dma_start3A_552 = tpu.memref_slice %arg3[%arg1, %add3A_10, %dma_start3A_550, %dma_start3A_551] : memref<16x25x10x80xi32, #tpu.memory_space<hbm>> -> memref<1x1x10x80xi32, #tpu.memory_space<hbm>>
        %dma_start3A_553 = tpu.memref_squeeze %dma_start3A_552 : memref<1x1x10x80xi32, #tpu.memory_space<hbm>> -> memref<10x80xi32, #tpu.memory_space<hbm>>
        tpu.enqueue_dma source(%dma_start3A_553 : memref<10x80xi32, #tpu.memory_space<hbm>>) target(%arg10 : memref<10x80xi32, #tpu.memory_space<vmem>>) target_semaphore(%run_scoped3A : memref<!tpu.dma_semaphore, #tpu.memory_space<semaphore_mem>>)
        %dma_wait3A_554 = arith.constant 0 : i32
        %dma_wait3A_555 = arith.constant 0 : i32
        %dma_wait3A_556 = tpu.memref_slice %arg3[%arg1, %add3A_10, %dma_wait3A_554, %dma_wait3A_555] : memref<16x25x10x80xi32, #tpu.memory_space<hbm>> -> memref<1x1x10x80xi32, #tpu.memory_space<hbm>>
        %dma_wait3A_557 = tpu.memref_squeeze %dma_wait3A_556 : memref<1x1x10x80xi32, #tpu.memory_space<hbm>> -> memref<10x80xi32, #tpu.memory_space<hbm>>
        %dma_wait3A_558 = arith.constant 0 : i32
        %dma_wait3A_559 = arith.constant 0 : i32
        %dma_wait3A_560 = tpu.memref_slice %arg3[%arg1, %add3A_10, %dma_wait3A_558, %dma_wait3A_559] : memref<16x25x10x80xi32, #tpu.memory_space<hbm>> -> memref<1x1x10x80xi32, #tpu.memory_space<hbm>>
        %dma_wait3A_561 = tpu.memref_squeeze %dma_wait3A_560 : memref<1x1x10x80xi32, #tpu.memory_space<hbm>> -> memref<10x80xi32, #tpu.memory_space<hbm>>
        tpu.wait_dma2 semaphore(%run_scoped3A : memref<!tpu.dma_semaphore, #tpu.memory_space<semaphore_mem>>) src(%dma_wait3A_561 : memref<10x80xi32, #tpu.memory_space<hbm>>) dst(%arg10 : memref<10x80xi32, #tpu.memory_space<vmem>>)
        tpu.yield
      }) : () -> ()
      "tpu.region"() ({
        %run_scoped3A = tpu.sem_alloc : memref<!tpu.dma_semaphore, #tpu.memory_space<semaphore_mem>>
        %dma_start3A_546 = arith.constant 0 : i32
        %dma_start3A_547 = arith.constant 0 : i32
        %dma_start3A_548 = tpu.memref_slice %arg4[%arg1, %add3A_10, %dma_start3A_546, %dma_start3A_547] : memref<16x25x10x80xi32, #tpu.memory_space<hbm>> -> memref<1x1x10x80xi32, #tpu.memory_space<hbm>>
        %dma_start3A_549 = tpu.memref_squeeze %dma_start3A_548 : memref<1x1x10x80xi32, #tpu.memory_space<hbm>> -> memref<10x80xi32, #tpu.memory_space<hbm>>
        %dma_start3A_550 = arith.constant 0 : i32
        %dma_start3A_551 = arith.constant 0 : i32
        %dma_start3A_552 = tpu.memref_slice %arg4[%arg1, %add3A_10, %dma_start3A_550, %dma_start3A_551] : memref<16x25x10x80xi32, #tpu.memory_space<hbm>> -> memref<1x1x10x80xi32, #tpu.memory_space<hbm>>
        %dma_start3A_553 = tpu.memref_squeeze %dma_start3A_552 : memref<1x1x10x80xi32, #tpu.memory_space<hbm>> -> memref<10x80xi32, #tpu.memory_space<hbm>>
        tpu.enqueue_dma source(%dma_start3A_553 : memref<10x80xi32, #tpu.memory_space<hbm>>) target(%arg11 : memref<10x80xi32, #tpu.memory_space<vmem>>) target_semaphore(%run_scoped3A : memref<!tpu.dma_semaphore, #tpu.memory_space<semaphore_mem>>)
        %dma_wait3A_554 = arith.constant 0 : i32
        %dma_wait3A_555 = arith.constant 0 : i32
        %dma_wait3A_556 = tpu.memref_slice %arg4[%arg1, %add3A_10, %dma_wait3A_554, %dma_wait3A_555] : memref<16x25x10x80xi32, #tpu.memory_space<hbm>> -> memref<1x1x10x80xi32, #tpu.memory_space<hbm>>
        %dma_wait3A_557 = tpu.memref_squeeze %dma_wait3A_556 : memref<1x1x10x80xi32, #tpu.memory_space<hbm>> -> memref<10x80xi32, #tpu.memory_space<hbm>>
        %dma_wait3A_558 = arith.constant 0 : i32
        %dma_wait3A_559 = arith.constant 0 : i32
        %dma_wait3A_560 = tpu.memref_slice %arg4[%arg1, %add3A_10, %dma_wait3A_558, %dma_wait3A_559] : memref<16x25x10x80xi32, #tpu.memory_space<hbm>> -> memref<1x1x10x80xi32, #tpu.memory_space<hbm>>
        %dma_wait3A_561 = tpu.memref_squeeze %dma_wait3A_560 : memref<1x1x10x80xi32, #tpu.memory_space<hbm>> -> memref<10x80xi32, #tpu.memory_space<hbm>>
        tpu.wait_dma2 semaphore(%run_scoped3A : memref<!tpu.dma_semaphore, #tpu.memory_space<semaphore_mem>>) src(%dma_wait3A_561 : memref<10x80xi32, #tpu.memory_space<hbm>>) dst(%arg11 : memref<10x80xi32, #tpu.memory_space<vmem>>)
        tpu.yield
      }) : () -> ()
      %mul3A_11 = arith.constant 20000 : i32
      %mul3A_12 = arith.muli %arg1, %mul3A_11 : i32
      %mul3A_13 = arith.constant 800 : i32
      %mul3A_14 = arith.muli %add3A_10, %mul3A_13 : i32
      %add3A_15 = arith.addi %mul3A_12, %mul3A_14 : i32
      "tpu.region"() ({
        %run_scoped3A = tpu.sem_alloc : memref<!tpu.dma_semaphore, #tpu.memory_space<semaphore_mem>>
        %dma_start3A_546 = arith.constant 0 : i32
        %dma_start3A_547 = tpu.memref_slice %arg5[%add3A_15, %dma_start3A_546] : memref<320000x16xf32, #tpu.memory_space<hbm>> -> memref<800x16xf32, #tpu.memory_space<hbm>>
        %dma_start3A_548 = arith.constant 0 : i32
        %dma_start3A_549 = tpu.memref_slice %arg5[%add3A_15, %dma_start3A_548] : memref<320000x16xf32, #tpu.memory_space<hbm>> -> memref<800x16xf32, #tpu.memory_space<hbm>>
        tpu.enqueue_dma source(%dma_start3A_549 : memref<800x16xf32, #tpu.memory_space<hbm>>) target(%arg14 : memref<800x16xf32, #tpu.memory_space<vmem>>) target_semaphore(%run_scoped3A : memref<!tpu.dma_semaphore, #tpu.memory_space<semaphore_mem>>)
        %dma_wait3A_550 = arith.constant 0 : i32
        %dma_wait3A_551 = tpu.memref_slice %arg5[%add3A_15, %dma_wait3A_550] : memref<320000x16xf32, #tpu.memory_space<hbm>> -> memref<800x16xf32, #tpu.memory_space<hbm>>
        %dma_wait3A_552 = arith.constant 0 : i32
        %dma_wait3A_553 = tpu.memref_slice %arg5[%add3A_15, %dma_wait3A_552] : memref<320000x16xf32, #tpu.memory_space<hbm>> -> memref<800x16xf32, #tpu.memory_space<hbm>>
        tpu.wait_dma2 semaphore(%run_scoped3A : memref<!tpu.dma_semaphore, #tpu.memory_space<semaphore_mem>>) src(%dma_wait3A_553 : memref<800x16xf32, #tpu.memory_space<hbm>>) dst(%arg14 : memref<800x16xf32, #tpu.memory_space<vmem>>)
        tpu.yield
      }) : () -> ()
      %eq3A = arith.constant 1 : i32
      %eq3A_16 = arith.cmpi eq, %arg0, %eq3A : i32
      %convert_element_type3A = arith.extui %eq3A_16 : i1 to i32
      %cond3A = arith.constant 0 : i32
      %cond3A_17 = arith.cmpi ne, %convert_element_type3A, %cond3A : i32
      scf.if %cond3A_17 {
        %scan3A_546 = arith.constant 0 : i32
        %scan3A_547 = arith.constant 10 : i32
        %scan3A_548 = arith.addi %scan3A_546, %scan3A_547 : i32
        %scan3A_549 = arith.constant 1 : i32
        scf.for %scan3A_551 = %scan3A_546 to %scan3A_548 step %scan3A_549  : i32 {
          %mul3A_552 = arith.constant 1 : i32
          %mul3A_553 = arith.muli %scan3A_551, %mul3A_552 : i32
          %add3A_554 = arith.constant 0 : i32
          %add3A_555 = arith.addi %add3A_554, %mul3A_553 : i32
          %get3A = arith.index_cast %add3A_555 : i32 to index
          %get3A_556 = arith.constant 0 : index
          %get3A_557 = tpu.vector_load %arg10[%get3A, %get3A_556] {strides = array<i32>} : memref<10x80xi32, #tpu.memory_space<vmem>>, vector<1x16xi32>,
          %get3A_558 = vector.shape_cast %get3A_557 : vector<1x16xi32> to vector<16xi32>
          %add3A_559 = arith.addi %get3A_558, %broadcast_in_dim3A_1 : vector<16xi32>
          %swap3A = arith.index_cast %add3A_555 : i32 to index
          %swap3A_560 = arith.constant 0 : index
          %swap3A_561 = tpu.vector_load %arg10[%swap3A, %swap3A_560] {strides = array<i32>} : memref<10x80xi32, #tpu.memory_space<vmem>>, vector<1x16xi32>,
          %swap3A_562 = vector.shape_cast %swap3A_561 : vector<1x16xi32> to vector<16xi32>
          %swap3A_563 = vector.shape_cast %add3A_559 : vector<16xi32> to vector<1x16xi32>
          tpu.vector_store %arg10[%swap3A, %swap3A_560], %swap3A_563 {strides = array<i32>} : memref<10x80xi32, #tpu.memory_space<vmem>>, vector<1x16xi32>,
          %get3A_564 = arith.index_cast %add3A_555 : i32 to index
          %get3A_565 = arith.constant 16 : index
          %get3A_566 = tpu.vector_load %arg10[%get3A_564, %get3A_565] {strides = array<i32>} : memref<10x80xi32, #tpu.memory_space<vmem>>, vector<1x16xi32>,
          %get3A_567 = vector.shape_cast %get3A_566 : vector<1x16xi32> to vector<16xi32>
          %add3A_568 = arith.addi %get3A_567, %broadcast_in_dim3A_1 : vector<16xi32>
          %swap3A_569 = arith.index_cast %add3A_555 : i32 to index
          %swap3A_570 = arith.constant 16 : index
          %swap3A_571 = tpu.vector_load %arg10[%swap3A_569, %swap3A_570] {strides = array<i32>} : memref<10x80xi32, #tpu.memory_space<vmem>>, vector<1x16xi32>,
          %swap3A_572 = vector.shape_cast %swap3A_571 : vector<1x16xi32> to vector<16xi32>
          %swap3A_573 = vector.shape_cast %add3A_568 : vector<16xi32> to vector<1x16xi32>
          tpu.vector_store %arg10[%swap3A_569, %swap3A_570], %swap3A_573 {strides = array<i32>} : memref<10x80xi32, #tpu.memory_space<vmem>>, vector<1x16xi32>,
          %get3A_574 = arith.index_cast %add3A_555 : i32 to index
          %get3A_575 = arith.constant 32 : index
          %get3A_576 = tpu.vector_load %arg10[%get3A_574, %get3A_575] {strides = array<i32>} : memref<10x80xi32, #tpu.memory_space<vmem>>, vector<1x16xi32>,
          %get3A_577 = vector.shape_cast %get3A_576 : vector<1x16xi32> to vector<16xi32>
          %add3A_578 = arith.addi %get3A_577, %broadcast_in_dim3A_1 : vector<16xi32>
          %swap3A_579 = arith.index_cast %add3A_555 : i32 to index
          %swap3A_580 = arith.constant 32 : index
          %swap3A_581 = tpu.vector_load %arg10[%swap3A_579, %swap3A_580] {strides = array<i32>} : memref<10x80xi32, #tpu.memory_space<vmem>>, vector<1x16xi32>,
          %swap3A_582 = vector.shape_cast %swap3A_581 : vector<1x16xi32> to vector<16xi32>
          %swap3A_583 = vector.shape_cast %add3A_578 : vector<16xi32> to vector<1x16xi32>
          tpu.vector_store %arg10[%swap3A_579, %swap3A_580], %swap3A_583 {strides = array<i32>} : memref<10x80xi32, #tpu.memory_space<vmem>>, vector<1x16xi32>,
          %get3A_584 = arith.index_cast %add3A_555 : i32 to index
          %get3A_585 = arith.constant 48 : index
          %get3A_586 = tpu.vector_load %arg10[%get3A_584, %get3A_585] {strides = array<i32>} : memref<10x80xi32, #tpu.memory_space<vmem>>, vector<1x16xi32>,
          %get3A_587 = vector.shape_cast %get3A_586 : vector<1x16xi32> to vector<16xi32>
          %add3A_588 = arith.addi %get3A_587, %broadcast_in_dim3A_1 : vector<16xi32>
          %swap3A_589 = arith.index_cast %add3A_555 : i32 to index
          %swap3A_590 = arith.constant 48 : index
          %swap3A_591 = tpu.vector_load %arg10[%swap3A_589, %swap3A_590] {strides = array<i32>} : memref<10x80xi32, #tpu.memory_space<vmem>>, vector<1x16xi32>,
          %swap3A_592 = vector.shape_cast %swap3A_591 : vector<1x16xi32> to vector<16xi32>
          %swap3A_593 = vector.shape_cast %add3A_588 : vector<16xi32> to vector<1x16xi32>
          tpu.vector_store %arg10[%swap3A_589, %swap3A_590], %swap3A_593 {strides = array<i32>} : memref<10x80xi32, #tpu.memory_space<vmem>>, vector<1x16xi32>,
          %get3A_594 = arith.index_cast %add3A_555 : i32 to index
          %get3A_595 = arith.constant 64 : index
          %get3A_596 = tpu.vector_load %arg10[%get3A_594, %get3A_595] {strides = array<i32>} : memref<10x80xi32, #tpu.memory_space<vmem>>, vector<1x16xi32>,
          %get3A_597 = vector.shape_cast %get3A_596 : vector<1x16xi32> to vector<16xi32>
          %add3A_598 = arith.addi %get3A_597, %broadcast_in_dim3A_1 : vector<16xi32>
          %swap3A_599 = arith.index_cast %add3A_555 : i32 to index
          %swap3A_600 = arith.constant 64 : index
          %swap3A_601 = tpu.vector_load %arg10[%swap3A_599, %swap3A_600] {strides = array<i32>} : memref<10x80xi32, #tpu.memory_space<vmem>>, vector<1x16xi32>,
          %swap3A_602 = vector.shape_cast %swap3A_601 : vector<1x16xi32> to vector<16xi32>
          %swap3A_603 = vector.shape_cast %add3A_598 : vector<16xi32> to vector<1x16xi32>
          tpu.vector_store %arg10[%swap3A_599, %swap3A_600], %swap3A_603 {strides = array<i32>} : memref<10x80xi32, #tpu.memory_space<vmem>>, vector<1x16xi32>,
        }
        %scan3A_550 = arith.constant 10 : i32
      } else {
      }
      %dma_start3A = arith.constant 0 : i32
      %dma_start3A_18 = arith.constant 0 : i32
      %dma_start3A_19 = arith.constant 0 : i32
      %dma_start3A_20 = arith.constant 0 : i32
      %dma_start3A_21 = tpu.memref_slice %arg12[%dma_start3A_18, %dma_start3A_19, %dma_start3A_20] : memref<2x80x80xf32, #tpu.memory_space<vmem>> -> memref<1x80x80xf32, #tpu.memory_space<vmem>>
      %dma_start3A_22 = tpu.memref_squeeze %dma_start3A_21 : memref<1x80x80xf32, #tpu.memory_space<vmem>> -> memref<80x80xf32, #tpu.memory_space<vmem>>
      %dma_start3A_23 = arith.constant 0 : i32
      %dma_start3A_24 = tpu.memref_slice %arg10[%dma_start3A, %dma_start3A_23] : memref<10x80xi32, #tpu.memory_space<vmem>> -> memref<1x80xi32, #tpu.memory_space<vmem>>
      %dma_start3A_25 = tpu.memref_squeeze %dma_start3A_24 : memref<1x80xi32, #tpu.memory_space<vmem>> -> memref<80xi32, #tpu.memory_space<vmem>>
      %dma_start3A_26 = arith.constant 0 : i32
      %dma_start3A_27 = arith.constant 0 : i32
      %dma_start3A_28 = tpu.memref_slice %arg2[%dma_start3A_26, %dma_start3A_27] : memref<20000x80xf32, #tpu.memory_space<hbm>> -> memref<20000x80xf32, #tpu.memory_space<hbm>>
      tpu.enqueue_indirect_dma source(%dma_start3A_28 : memref<20000x80xf32, #tpu.memory_space<hbm>>) target(%dma_start3A_22 : memref<80x80xf32, #tpu.memory_space<vmem>>) offsets(%dma_start3A_25 : memref<80xi32, #tpu.memory_space<vmem>>) semaphore(%arg17 : memref<!tpu.dma_semaphore, #tpu.memory_space<semaphore_mem>>)
      %dma_start3A_29 = arith.constant 1 : i32
      %dma_start3A_30 = arith.constant 1 : i32
      %dma_start3A_31 = arith.constant 0 : i32
      %dma_start3A_32 = arith.constant 0 : i32
      %dma_start3A_33 = tpu.memref_slice %arg12[%dma_start3A_30, %dma_start3A_31, %dma_start3A_32] : memref<2x80x80xf32, #tpu.memory_space<vmem>> -> memref<1x80x80xf32, #tpu.memory_space<vmem>>
      %dma_start3A_34 = tpu.memref_squeeze %dma_start3A_33 : memref<1x80x80xf32, #tpu.memory_space<vmem>> -> memref<80x80xf32, #tpu.memory_space<vmem>>
      %dma_start3A_35 = arith.constant 0 : i32
      %dma_start3A_36 = tpu.memref_slice %arg10[%dma_start3A_29, %dma_start3A_35] : memref<10x80xi32, #tpu.memory_space<vmem>> -> memref<1x80xi32, #tpu.memory_space<vmem>>
      %dma_start3A_37 = tpu.memref_squeeze %dma_start3A_36 : memref<1x80xi32, #tpu.memory_space<vmem>> -> memref<80xi32, #tpu.memory_space<vmem>>
      %dma_start3A_38 = arith.constant 0 : i32
      %dma_start3A_39 = arith.constant 0 : i32
      %dma_start3A_40 = tpu.memref_slice %arg2[%dma_start3A_38, %dma_start3A_39] : memref<20000x80xf32, #tpu.memory_space<hbm>> -> memref<20000x80xf32, #tpu.memory_space<hbm>>
      tpu.enqueue_indirect_dma source(%dma_start3A_40 : memref<20000x80xf32, #tpu.memory_space<hbm>>) target(%dma_start3A_34 : memref<80x80xf32, #tpu.memory_space<vmem>>) offsets(%dma_start3A_37 : memref<80xi32, #tpu.memory_space<vmem>>) semaphore(%arg17 : memref<!tpu.dma_semaphore, #tpu.memory_space<semaphore_mem>>)
      %dma_wait3A = arith.constant 0 : i32
      %dma_wait3A_41 = arith.constant 0 : i32
      %dma_wait3A_42 = arith.constant 0 : i32
      %dma_wait3A_43 = arith.constant 0 : i32
      %dma_wait3A_44 = tpu.memref_slice %arg12[%dma_wait3A_41, %dma_wait3A_42, %dma_wait3A_43] : memref<2x80x80xf32, #tpu.memory_space<vmem>> -> memref<1x80x80xf32, #tpu.memory_space<vmem>>
      %dma_wait3A_45 = tpu.memref_squeeze %dma_wait3A_44 : memref<1x80x80xf32, #tpu.memory_space<vmem>> -> memref<80x80xf32, #tpu.memory_space<vmem>>
      %dma_wait3A_46 = arith.constant 0 : i32
      %dma_wait3A_47 = tpu.memref_slice %arg10[%dma_wait3A, %dma_wait3A_46] : memref<10x80xi32, #tpu.memory_space<vmem>> -> memref<1x80xi32, #tpu.memory_space<vmem>>
      %dma_wait3A_48 = tpu.memref_squeeze %dma_wait3A_47 : memref<1x80xi32, #tpu.memory_space<vmem>> -> memref<80xi32, #tpu.memory_space<vmem>>
      %dma_wait3A_49 = arith.constant 0 : i32
      %dma_wait3A_50 = arith.constant 0 : i32
      %dma_wait3A_51 = tpu.memref_slice %arg2[%dma_wait3A_49, %dma_wait3A_50] : memref<20000x80xf32, #tpu.memory_space<hbm>> -> memref<20000x80xf32, #tpu.memory_space<hbm>>
      tpu.wait_indirect_dma semaphore(%arg17 : memref<!tpu.dma_semaphore, #tpu.memory_space<semaphore_mem>>) src(%dma_wait3A_51 : memref<20000x80xf32, #tpu.memory_space<hbm>>) dst(%dma_wait3A_45 : memref<80x80xf32, #tpu.memory_space<vmem>>)
      %dma_wait3A_52 = arith.constant 1 : i32
      %dma_wait3A_53 = arith.constant 1 : i32
      %dma_wait3A_54 = arith.constant 0 : i32
      %dma_wait3A_55 = arith.constant 0 : i32
      %dma_wait3A_56 = tpu.memref_slice %arg12[%dma_wait3A_53, %dma_wait3A_54, %dma_wait3A_55] : memref<2x80x80xf32, #tpu.memory_space<vmem>> -> memref<1x80x80xf32, #tpu.memory_space<vmem>>
      %dma_wait3A_57 = tpu.memref_squeeze %dma_wait3A_56 : memref<1x80x80xf32, #tpu.memory_space<vmem>> -> memref<80x80xf32, #tpu.memory_space<vmem>>
      %dma_wait3A_58 = arith.constant 0 : i32
      %dma_wait3A_59 = tpu.memref_slice %arg10[%dma_wait3A_52, %dma_wait3A_58] : memref<10x80xi32, #tpu.memory_space<vmem>> -> memref<1x80xi32, #tpu.memory_space<vmem>>
      %dma_wait3A_60 = tpu.memref_squeeze %dma_wait3A_59 : memref<1x80xi32, #tpu.memory_space<vmem>> -> memref<80xi32, #tpu.memory_space<vmem>>
      %dma_wait3A_61 = arith.constant 0 : i32
      %dma_wait3A_62 = arith.constant 0 : i32
      %dma_wait3A_63 = tpu.memref_slice %arg2[%dma_wait3A_61, %dma_wait3A_62] : memref<20000x80xf32, #tpu.memory_space<hbm>> -> memref<20000x80xf32, #tpu.memory_space<hbm>>
      tpu.wait_indirect_dma semaphore(%arg17 : memref<!tpu.dma_semaphore, #tpu.memory_space<semaphore_mem>>) src(%dma_wait3A_63 : memref<20000x80xf32, #tpu.memory_space<hbm>>) dst(%dma_wait3A_57 : memref<80x80xf32, #tpu.memory_space<vmem>>)
      %dma_start3A_64 = arith.constant 2 : i32
      %dma_start3A_65 = arith.constant 0 : i32
      %dma_start3A_66 = arith.constant 0 : i32
      %dma_start3A_67 = arith.constant 0 : i32
      %dma_start3A_68 = tpu.memref_slice %arg13[%dma_start3A_65, %dma_start3A_66, %dma_start3A_67] : memref<2x80x80xf32, #tpu.memory_space<vmem>> -> memref<1x80x80xf32, #tpu.memory_space<vmem>>
      %dma_start3A_69 = tpu.memref_squeeze %dma_start3A_68 : memref<1x80x80xf32, #tpu.memory_space<vmem>> -> memref<80x80xf32, #tpu.memory_space<vmem>>
      %dma_start3A_70 = arith.constant 0 : i32
      %dma_start3A_71 = tpu.memref_slice %arg10[%dma_start3A_64, %dma_start3A_70] : memref<10x80xi32, #tpu.memory_space<vmem>> -> memref<1x80xi32, #tpu.memory_space<vmem>>
      %dma_start3A_72 = tpu.memref_squeeze %dma_start3A_71 : memref<1x80xi32, #tpu.memory_space<vmem>> -> memref<80xi32, #tpu.memory_space<vmem>>
      %dma_start3A_73 = arith.constant 0 : i32
      %dma_start3A_74 = arith.constant 0 : i32
      %dma_start3A_75 = tpu.memref_slice %arg2[%dma_start3A_73, %dma_start3A_74] : memref<20000x80xf32, #tpu.memory_space<hbm>> -> memref<20000x80xf32, #tpu.memory_space<hbm>>
      tpu.enqueue_indirect_dma source(%dma_start3A_75 : memref<20000x80xf32, #tpu.memory_space<hbm>>) target(%dma_start3A_69 : memref<80x80xf32, #tpu.memory_space<vmem>>) offsets(%dma_start3A_72 : memref<80xi32, #tpu.memory_space<vmem>>) semaphore(%arg18 : memref<!tpu.dma_semaphore, #tpu.memory_space<semaphore_mem>>)
      %dma_start3A_76 = arith.constant 3 : i32
      %dma_start3A_77 = arith.constant 1 : i32
      %dma_start3A_78 = arith.constant 0 : i32
      %dma_start3A_79 = arith.constant 0 : i32
      %dma_start3A_80 = tpu.memref_slice %arg13[%dma_start3A_77, %dma_start3A_78, %dma_start3A_79] : memref<2x80x80xf32, #tpu.memory_space<vmem>> -> memref<1x80x80xf32, #tpu.memory_space<vmem>>
      %dma_start3A_81 = tpu.memref_squeeze %dma_start3A_80 : memref<1x80x80xf32, #tpu.memory_space<vmem>> -> memref<80x80xf32, #tpu.memory_space<vmem>>
      %dma_start3A_82 = arith.constant 0 : i32
      %dma_start3A_83 = tpu.memref_slice %arg10[%dma_start3A_76, %dma_start3A_82] : memref<10x80xi32, #tpu.memory_space<vmem>> -> memref<1x80xi32, #tpu.memory_space<vmem>>
      %dma_start3A_84 = tpu.memref_squeeze %dma_start3A_83 : memref<1x80xi32, #tpu.memory_space<vmem>> -> memref<80xi32, #tpu.memory_space<vmem>>
      %dma_start3A_85 = arith.constant 0 : i32
      %dma_start3A_86 = arith.constant 0 : i32
      %dma_start3A_87 = tpu.memref_slice %arg2[%dma_start3A_85, %dma_start3A_86] : memref<20000x80xf32, #tpu.memory_space<hbm>> -> memref<20000x80xf32, #tpu.memory_space<hbm>>
      tpu.enqueue_indirect_dma source(%dma_start3A_87 : memref<20000x80xf32, #tpu.memory_space<hbm>>) target(%dma_start3A_81 : memref<80x80xf32, #tpu.memory_space<vmem>>) offsets(%dma_start3A_84 : memref<80xi32, #tpu.memory_space<vmem>>) semaphore(%arg18 : memref<!tpu.dma_semaphore, #tpu.memory_space<semaphore_mem>>)
      %dma_start3A_88 = arith.constant 0 : i32
      %dma_start3A_89 = arith.constant 0 : i32
      %dma_start3A_90 = arith.constant 0 : i32
      %dma_start3A_91 = arith.constant 0 : i32
      %dma_start3A_92 = tpu.memref_slice %arg12[%dma_start3A_88, %dma_start3A_90, %dma_start3A_91] : memref<2x80x80xf32, #tpu.memory_space<vmem>> -> memref<1x80x80xf32, #tpu.memory_space<vmem>>
      %dma_start3A_93 = tpu.memref_squeeze %dma_start3A_92 : memref<1x80x80xf32, #tpu.memory_space<vmem>> -> memref<80x80xf32, #tpu.memory_space<vmem>>
      %dma_start3A_94 = arith.constant 0 : i32
      %dma_start3A_95 = tpu.memref_slice %arg11[%dma_start3A_89, %dma_start3A_94] : memref<10x80xi32, #tpu.memory_space<vmem>> -> memref<1x80xi32, #tpu.memory_space<vmem>>
      %dma_start3A_96 = tpu.memref_squeeze %dma_start3A_95 : memref<1x80xi32, #tpu.memory_space<vmem>> -> memref<80xi32, #tpu.memory_space<vmem>>
      %dma_start3A_97 = arith.constant 0 : i32
      %dma_start3A_98 = arith.constant 0 : i32
      %dma_start3A_99 = tpu.memref_slice %arg15[%dma_start3A_97, %dma_start3A_98] : memref<10240x80xf32, #tpu.memory_space<vmem_shared>> -> memref<10240x80xf32, #tpu.memory_space<vmem_shared>>
      tpu.enqueue_indirect_dma source(%dma_start3A_93 : memref<80x80xf32, #tpu.memory_space<vmem>>) target(%dma_start3A_99 : memref<10240x80xf32, #tpu.memory_space<vmem_shared>>) offsets(%dma_start3A_96 : memref<80xi32, #tpu.memory_space<vmem>>) semaphore(%arg19 : memref<!tpu.dma_semaphore, #tpu.memory_space<semaphore_mem>>) {add = true}
      %eq3A_100 = arith.constant 0 : i32
      %eq3A_101 = arith.cmpi eq, %arg0, %eq3A_100 : i32
      %convert_element_type3A_102 = arith.extui %eq3A_101 : i1 to i32
      %cond3A_103 = arith.constant 0 : i32
      %cond3A_104 = arith.cmpi ne, %convert_element_type3A_102, %cond3A_103 : i32
      scf.if %cond3A_104 {
        %run_scoped3A = arith.constant 0 : i32
        "tpu.region"() ({
          %run_scoped3A_546 = tpu.sem_alloc : memref<!tpu.dma_semaphore, #tpu.memory_space<semaphore_mem>>
          %dma_start3A_547 = arith.constant 0 : i32
          %dma_start3A_548 = arith.constant 0 : i32
          %dma_start3A_549 = tpu.memref_slice %arg14[%dma_start3A_547, %dma_start3A_548] : memref<800x16xf32, #tpu.memory_space<vmem>> -> memref<80x16xf32, #tpu.memory_space<vmem>>
          %dma_start3A_550 = arith.constant 0 : i32
          %dma_start3A_551 = tpu.memref_slice %arg11[%run_scoped3A, %dma_start3A_550] : memref<10x80xi32, #tpu.memory_space<vmem>> -> memref<1x80xi32, #tpu.memory_space<vmem>>
          %dma_start3A_552 = tpu.memref_squeeze %dma_start3A_551 : memref<1x80xi32, #tpu.memory_space<vmem>> -> memref<80xi32, #tpu.memory_space<vmem>>
          %dma_start3A_553 = arith.constant 0 : i32
          %dma_start3A_554 = arith.constant 0 : i32
          %dma_start3A_555 = tpu.memref_slice %arg16[%dma_start3A_553, %dma_start3A_554] : memref<10240x16xf32, #tpu.memory_space<vmem_shared>> -> memref<10240x16xf32, #tpu.memory_space<vmem_shared>>
          tpu.enqueue_indirect_dma source(%dma_start3A_549 : memref<80x16xf32, #tpu.memory_space<vmem>>) target(%dma_start3A_555 : memref<10240x16xf32, #tpu.memory_space<vmem_shared>>) offsets(%dma_start3A_552 : memref<80xi32, #tpu.memory_space<vmem>>) semaphore(%run_scoped3A_546 : memref<!tpu.dma_semaphore, #tpu.memory_space<semaphore_mem>>) {add = true}
          %dma_wait3A_556 = arith.constant 0 : i32
          %dma_wait3A_557 = arith.constant 0 : i32
          %dma_wait3A_558 = tpu.memref_slice %arg14[%dma_wait3A_556, %dma_wait3A_557] : memref<800x16xf32, #tpu.memory_space<vmem>> -> memref<80x16xf32, #tpu.memory_space<vmem>>
          %dma_wait3A_559 = arith.constant 0 : i32
          %dma_wait3A_560 = tpu.memref_slice %arg11[%run_scoped3A, %dma_wait3A_559] : memref<10x80xi32, #tpu.memory_space<vmem>> -> memref<1x80xi32, #tpu.memory_space<vmem>>
          %dma_wait3A_561 = tpu.memref_squeeze %dma_wait3A_560 : memref<1x80xi32, #tpu.memory_space<vmem>> -> memref<80xi32, #tpu.memory_space<vmem>>
          %dma_wait3A_562 = arith.constant 0 : i32
          %dma_wait3A_563 = arith.constant 0 : i32
          %dma_wait3A_564 = tpu.memref_slice %arg16[%dma_wait3A_562, %dma_wait3A_563] : memref<10240x16xf32, #tpu.memory_space<vmem_shared>> -> memref<10240x16xf32, #tpu.memory_space<vmem_shared>>
          tpu.wait_indirect_dma semaphore(%run_scoped3A_546 : memref<!tpu.dma_semaphore, #tpu.memory_space<semaphore_mem>>) src(%dma_wait3A_558 : memref<80x16xf32, #tpu.memory_space<vmem>>) dst(%dma_wait3A_564 : memref<10240x16xf32, #tpu.memory_space<vmem_shared>>)
          tpu.yield
        }) : () -> ()
      } else {
      }
      %dma_start3A_105 = arith.constant 1 : i32
      %dma_start3A_106 = arith.constant 1 : i32
      %dma_start3A_107 = arith.constant 0 : i32
      %dma_start3A_108 = arith.constant 0 : i32
      %dma_start3A_109 = tpu.memref_slice %arg12[%dma_start3A_105, %dma_start3A_107, %dma_start3A_108] : memref<2x80x80xf32, #tpu.memory_space<vmem>> -> memref<1x80x80xf32, #tpu.memory_space<vmem>>
      %dma_start3A_110 = tpu.memref_squeeze %dma_start3A_109 : memref<1x80x80xf32, #tpu.memory_space<vmem>> -> memref<80x80xf32, #tpu.memory_space<vmem>>
      %dma_start3A_111 = arith.constant 0 : i32
      %dma_start3A_112 = tpu.memref_slice %arg11[%dma_start3A_106, %dma_start3A_111] : memref<10x80xi32, #tpu.memory_space<vmem>> -> memref<1x80xi32, #tpu.memory_space<vmem>>
      %dma_start3A_113 = tpu.memref_squeeze %dma_start3A_112 : memref<1x80xi32, #tpu.memory_space<vmem>> -> memref<80xi32, #tpu.memory_space<vmem>>
      %dma_start3A_114 = arith.constant 0 : i32
      %dma_start3A_115 = arith.constant 0 : i32
      %dma_start3A_116 = tpu.memref_slice %arg15[%dma_start3A_114, %dma_start3A_115] : memref<10240x80xf32, #tpu.memory_space<vmem_shared>> -> memref<10240x80xf32, #tpu.memory_space<vmem_shared>>
      tpu.enqueue_indirect_dma source(%dma_start3A_110 : memref<80x80xf32, #tpu.memory_space<vmem>>) target(%dma_start3A_116 : memref<10240x80xf32, #tpu.memory_space<vmem_shared>>) offsets(%dma_start3A_113 : memref<80xi32, #tpu.memory_space<vmem>>) semaphore(%arg19 : memref<!tpu.dma_semaphore, #tpu.memory_space<semaphore_mem>>) {add = true}
      %eq3A_117 = arith.constant 1 : i32
      %eq3A_118 = arith.cmpi eq, %arg0, %eq3A_117 : i32
      %convert_element_type3A_119 = arith.extui %eq3A_118 : i1 to i32
      %cond3A_120 = arith.constant 0 : i32
      %cond3A_121 = arith.cmpi ne, %convert_element_type3A_119, %cond3A_120 : i32
      scf.if %cond3A_121 {
        %run_scoped3A = arith.constant 1 : i32
        "tpu.region"() ({
          %run_scoped3A_546 = tpu.sem_alloc : memref<!tpu.dma_semaphore, #tpu.memory_space<semaphore_mem>>
          %dma_start3A_547 = arith.constant 80 : i32
          %dma_start3A_548 = arith.constant 0 : i32
          %dma_start3A_549 = tpu.memref_slice %arg14[%dma_start3A_547, %dma_start3A_548] : memref<800x16xf32, #tpu.memory_space<vmem>> -> memref<80x16xf32, #tpu.memory_space<vmem>>
          %dma_start3A_550 = arith.constant 0 : i32
          %dma_start3A_551 = tpu.memref_slice %arg11[%run_scoped3A, %dma_start3A_550] : memref<10x80xi32, #tpu.memory_space<vmem>> -> memref<1x80xi32, #tpu.memory_space<vmem>>
          %dma_start3A_552 = tpu.memref_squeeze %dma_start3A_551 : memref<1x80xi32, #tpu.memory_space<vmem>> -> memref<80xi32, #tpu.memory_space<vmem>>
          %dma_start3A_553 = arith.constant 0 : i32
          %dma_start3A_554 = arith.constant 0 : i32
          %dma_start3A_555 = tpu.memref_slice %arg16[%dma_start3A_553, %dma_start3A_554] : memref<10240x16xf32, #tpu.memory_space<vmem_shared>> -> memref<10240x16xf32, #tpu.memory_space<vmem_shared>>
          tpu.enqueue_indirect_dma source(%dma_start3A_549 : memref<80x16xf32, #tpu.memory_space<vmem>>) target(%dma_start3A_555 : memref<10240x16xf32, #tpu.memory_space<vmem_shared>>) offsets(%dma_start3A_552 : memref<80xi32, #tpu.memory_space<vmem>>) semaphore(%run_scoped3A_546 : memref<!tpu.dma_semaphore, #tpu.memory_space<semaphore_mem>>) {add = true}
          %dma_wait3A_556 = arith.constant 80 : i32
          %dma_wait3A_557 = arith.constant 0 : i32
          %dma_wait3A_558 = tpu.memref_slice %arg14[%dma_wait3A_556, %dma_wait3A_557] : memref<800x16xf32, #tpu.memory_space<vmem>> -> memref<80x16xf32, #tpu.memory_space<vmem>>
          %dma_wait3A_559 = arith.constant 0 : i32
          %dma_wait3A_560 = tpu.memref_slice %arg11[%run_scoped3A, %dma_wait3A_559] : memref<10x80xi32, #tpu.memory_space<vmem>> -> memref<1x80xi32, #tpu.memory_space<vmem>>
          %dma_wait3A_561 = tpu.memref_squeeze %dma_wait3A_560 : memref<1x80xi32, #tpu.memory_space<vmem>> -> memref<80xi32, #tpu.memory_space<vmem>>
          %dma_wait3A_562 = arith.constant 0 : i32
          %dma_wait3A_563 = arith.constant 0 : i32
          %dma_wait3A_564 = tpu.memref_slice %arg16[%dma_wait3A_562, %dma_wait3A_563] : memref<10240x16xf32, #tpu.memory_space<vmem_shared>> -> memref<10240x16xf32, #tpu.memory_space<vmem_shared>>
          tpu.wait_indirect_dma semaphore(%run_scoped3A_546 : memref<!tpu.dma_semaphore, #tpu.memory_space<semaphore_mem>>) src(%dma_wait3A_558 : memref<80x16xf32, #tpu.memory_space<vmem>>) dst(%dma_wait3A_564 : memref<10240x16xf32, #tpu.memory_space<vmem_shared>>)
          tpu.yield
        }) : () -> ()
      } else {
      }
      %dma_wait3A_122 = arith.constant 2 : i32
      %dma_wait3A_123 = arith.constant 0 : i32
      %dma_wait3A_124 = arith.constant 0 : i32
      %dma_wait3A_125 = arith.constant 0 : i32
      %dma_wait3A_126 = tpu.memref_slice %arg13[%dma_wait3A_123, %dma_wait3A_124, %dma_wait3A_125] : memref<2x80x80xf32, #tpu.memory_space<vmem>> -> memref<1x80x80xf32, #tpu.memory_space<vmem>>
      %dma_wait3A_127 = tpu.memref_squeeze %dma_wait3A_126 : memref<1x80x80xf32, #tpu.memory_space<vmem>> -> memref<80x80xf32, #tpu.memory_space<vmem>>
      %dma_wait3A_128 = arith.constant 0 : i32
      %dma_wait3A_129 = tpu.memref_slice %arg10[%dma_wait3A_122, %dma_wait3A_128] : memref<10x80xi32, #tpu.memory_space<vmem>> -> memref<1x80xi32, #tpu.memory_space<vmem>>
      %dma_wait3A_130 = tpu.memref_squeeze %dma_wait3A_129 : memref<1x80xi32, #tpu.memory_space<vmem>> -> memref<80xi32, #tpu.memory_space<vmem>>
      %dma_wait3A_131 = arith.constant 0 : i32
      %dma_wait3A_132 = arith.constant 0 : i32
      %dma_wait3A_133 = tpu.memref_slice %arg2[%dma_wait3A_131, %dma_wait3A_132] : memref<20000x80xf32, #tpu.memory_space<hbm>> -> memref<20000x80xf32, #tpu.memory_space<hbm>>
      tpu.wait_indirect_dma semaphore(%arg18 : memref<!tpu.dma_semaphore, #tpu.memory_space<semaphore_mem>>) src(%dma_wait3A_133 : memref<20000x80xf32, #tpu.memory_space<hbm>>) dst(%dma_wait3A_127 : memref<80x80xf32, #tpu.memory_space<vmem>>)
      %dma_wait3A_134 = arith.constant 3 : i32
      %dma_wait3A_135 = arith.constant 1 : i32
      %dma_wait3A_136 = arith.constant 0 : i32
      %dma_wait3A_137 = arith.constant 0 : i32
      %dma_wait3A_138 = tpu.memref_slice %arg13[%dma_wait3A_135, %dma_wait3A_136, %dma_wait3A_137] : memref<2x80x80xf32, #tpu.memory_space<vmem>> -> memref<1x80x80xf32, #tpu.memory_space<vmem>>
      %dma_wait3A_139 = tpu.memref_squeeze %dma_wait3A_138 : memref<1x80x80xf32, #tpu.memory_space<vmem>> -> memref<80x80xf32, #tpu.memory_space<vmem>>
      %dma_wait3A_140 = arith.constant 0 : i32
      %dma_wait3A_141 = tpu.memref_slice %arg10[%dma_wait3A_134, %dma_wait3A_140] : memref<10x80xi32, #tpu.memory_space<vmem>> -> memref<1x80xi32, #tpu.memory_space<vmem>>
      %dma_wait3A_142 = tpu.memref_squeeze %dma_wait3A_141 : memref<1x80xi32, #tpu.memory_space<vmem>> -> memref<80xi32, #tpu.memory_space<vmem>>
      %dma_wait3A_143 = arith.constant 0 : i32
      %dma_wait3A_144 = arith.constant 0 : i32
      %dma_wait3A_145 = tpu.memref_slice %arg2[%dma_wait3A_143, %dma_wait3A_144] : memref<20000x80xf32, #tpu.memory_space<hbm>> -> memref<20000x80xf32, #tpu.memory_space<hbm>>
      tpu.wait_indirect_dma semaphore(%arg18 : memref<!tpu.dma_semaphore, #tpu.memory_space<semaphore_mem>>) src(%dma_wait3A_145 : memref<20000x80xf32, #tpu.memory_space<hbm>>) dst(%dma_wait3A_139 : memref<80x80xf32, #tpu.memory_space<vmem>>)
      %dma_wait3A_146 = arith.constant 0 : i32
      %dma_wait3A_147 = arith.constant 0 : i32
      %dma_wait3A_148 = arith.constant 0 : i32
      %dma_wait3A_149 = arith.constant 0 : i32
      %dma_wait3A_150 = tpu.memref_slice %arg12[%dma_wait3A_146, %dma_wait3A_148, %dma_wait3A_149] : memref<2x80x80xf32, #tpu.memory_space<vmem>> -> memref<1x80x80xf32, #tpu.memory_space<vmem>>
      %dma_wait3A_151 = tpu.memref_squeeze %dma_wait3A_150 : memref<1x80x80xf32, #tpu.memory_space<vmem>> -> memref<80x80xf32, #tpu.memory_space<vmem>>
      %dma_wait3A_152 = arith.constant 0 : i32
      %dma_wait3A_153 = tpu.memref_slice %arg11[%dma_wait3A_147, %dma_wait3A_152] : memref<10x80xi32, #tpu.memory_space<vmem>> -> memref<1x80xi32, #tpu.memory_space<vmem>>
      %dma_wait3A_154 = tpu.memref_squeeze %dma_wait3A_153 : memref<1x80xi32, #tpu.memory_space<vmem>> -> memref<80xi32, #tpu.memory_space<vmem>>
      %dma_wait3A_155 = arith.constant 0 : i32
      %dma_wait3A_156 = arith.constant 0 : i32
      %dma_wait3A_157 = tpu.memref_slice %arg15[%dma_wait3A_155, %dma_wait3A_156] : memref<10240x80xf32, #tpu.memory_space<vmem_shared>> -> memref<10240x80xf32, #tpu.memory_space<vmem_shared>>
      tpu.wait_indirect_dma semaphore(%arg19 : memref<!tpu.dma_semaphore, #tpu.memory_space<semaphore_mem>>) src(%dma_wait3A_151 : memref<80x80xf32, #tpu.memory_space<vmem>>) dst(%dma_wait3A_157 : memref<10240x80xf32, #tpu.memory_space<vmem_shared>>)
      %dma_wait3A_158 = arith.constant 1 : i32
      %dma_wait3A_159 = arith.constant 1 : i32
      %dma_wait3A_160 = arith.constant 0 : i32
      %dma_wait3A_161 = arith.constant 0 : i32
      %dma_wait3A_162 = tpu.memref_slice %arg12[%dma_wait3A_158, %dma_wait3A_160, %dma_wait3A_161] : memref<2x80x80xf32, #tpu.memory_space<vmem>> -> memref<1x80x80xf32, #tpu.memory_space<vmem>>
      %dma_wait3A_163 = tpu.memref_squeeze %dma_wait3A_162 : memref<1x80x80xf32, #tpu.memory_space<vmem>> -> memref<80x80xf32, #tpu.memory_space<vmem>>
      %dma_wait3A_164 = arith.constant 0 : i32
      %dma_wait3A_165 = tpu.memref_slice %arg11[%dma_wait3A_159, %dma_wait3A_164] : memref<10x80xi32, #tpu.memory_space<vmem>> -> memref<1x80xi32, #tpu.memory_space<vmem>>
      %dma_wait3A_166 = tpu.memref_squeeze %dma_wait3A_165 : memref<1x80xi32, #tpu.memory_space<vmem>> -> memref<80xi32, #tpu.memory_space<vmem>>
      %dma_wait3A_167 = arith.constant 0 : i32
      %dma_wait3A_168 = arith.constant 0 : i32
      %dma_wait3A_169 = tpu.memref_slice %arg15[%dma_wait3A_167, %dma_wait3A_168] : memref<10240x80xf32, #tpu.memory_space<vmem_shared>> -> memref<10240x80xf32, #tpu.memory_space<vmem_shared>>
      tpu.wait_indirect_dma semaphore(%arg19 : memref<!tpu.dma_semaphore, #tpu.memory_space<semaphore_mem>>) src(%dma_wait3A_163 : memref<80x80xf32, #tpu.memory_space<vmem>>) dst(%dma_wait3A_169 : memref<10240x80xf32, #tpu.memory_space<vmem_shared>>)
      %dma_start3A_170 = arith.constant 4 : i32
      %dma_start3A_171 = arith.constant 0 : i32
      %dma_start3A_172 = arith.constant 0 : i32
      %dma_start3A_173 = arith.constant 0 : i32
      %dma_start3A_174 = tpu.memref_slice %arg12[%dma_start3A_171, %dma_start3A_172, %dma_start3A_173] : memref<2x80x80xf32, #tpu.memory_space<vmem>> -> memref<1x80x80xf32, #tpu.memory_space<vmem>>
      %dma_start3A_175 = tpu.memref_squeeze %dma_start3A_174 : memref<1x80x80xf32, #tpu.memory_space<vmem>> -> memref<80x80xf32, #tpu.memory_space<vmem>>
      %dma_start3A_176 = arith.constant 0 : i32
      %dma_start3A_177 = tpu.memref_slice %arg10[%dma_start3A_170, %dma_start3A_176] : memref<10x80xi32, #tpu.memory_space<vmem>> -> memref<1x80xi32, #tpu.memory_space<vmem>>
      %dma_start3A_178 = tpu.memref_squeeze %dma_start3A_177 : memref<1x80xi32, #tpu.memory_space<vmem>> -> memref<80xi32, #tpu.memory_space<vmem>>
      %dma_start3A_179 = arith.constant 0 : i32
      %dma_start3A_180 = arith.constant 0 : i32
      %dma_start3A_181 = tpu.memref_slice %arg2[%dma_start3A_179, %dma_start3A_180] : memref<20000x80xf32, #tpu.memory_space<hbm>> -> memref<20000x80xf32, #tpu.memory_space<hbm>>
      tpu.enqueue_indirect_dma source(%dma_start3A_181 : memref<20000x80xf32, #tpu.memory_space<hbm>>) target(%dma_start3A_175 : memref<80x80xf32, #tpu.memory_space<vmem>>) offsets(%dma_start3A_178 : memref<80xi32, #tpu.memory_space<vmem>>) semaphore(%arg17 : memref<!tpu.dma_semaphore, #tpu.memory_space<semaphore_mem>>)
      %dma_start3A_182 = arith.constant 5 : i32
      %dma_start3A_183 = arith.constant 1 : i32
      %dma_start3A_184 = arith.constant 0 : i32
      %dma_start3A_185 = arith.constant 0 : i32
      %dma_start3A_186 = tpu.memref_slice %arg12[%dma_start3A_183, %dma_start3A_184, %dma_start3A_185] : memref<2x80x80xf32, #tpu.memory_space<vmem>> -> memref<1x80x80xf32, #tpu.memory_space<vmem>>
      %dma_start3A_187 = tpu.memref_squeeze %dma_start3A_186 : memref<1x80x80xf32, #tpu.memory_space<vmem>> -> memref<80x80xf32, #tpu.memory_space<vmem>>
      %dma_start3A_188 = arith.constant 0 : i32
      %dma_start3A_189 = tpu.memref_slice %arg10[%dma_start3A_182, %dma_start3A_188] : memref<10x80xi32, #tpu.memory_space<vmem>> -> memref<1x80xi32, #tpu.memory_space<vmem>>
      %dma_start3A_190 = tpu.memref_squeeze %dma_start3A_189 : memref<1x80xi32, #tpu.memory_space<vmem>> -> memref<80xi32, #tpu.memory_space<vmem>>
      %dma_start3A_191 = arith.constant 0 : i32
      %dma_start3A_192 = arith.constant 0 : i32
      %dma_start3A_193 = tpu.memref_slice %arg2[%dma_start3A_191, %dma_start3A_192] : memref<20000x80xf32, #tpu.memory_space<hbm>> -> memref<20000x80xf32, #tpu.memory_space<hbm>>
      tpu.enqueue_indirect_dma source(%dma_start3A_193 : memref<20000x80xf32, #tpu.memory_space<hbm>>) target(%dma_start3A_187 : memref<80x80xf32, #tpu.memory_space<vmem>>) offsets(%dma_start3A_190 : memref<80xi32, #tpu.memory_space<vmem>>) semaphore(%arg17 : memref<!tpu.dma_semaphore, #tpu.memory_space<semaphore_mem>>)
      %dma_start3A_194 = arith.constant 0 : i32
      %dma_start3A_195 = arith.constant 2 : i32
      %dma_start3A_196 = arith.constant 0 : i32
      %dma_start3A_197 = arith.constant 0 : i32
      %dma_start3A_198 = tpu.memref_slice %arg13[%dma_start3A_194, %dma_start3A_196, %dma_start3A_197] : memref<2x80x80xf32, #tpu.memory_space<vmem>> -> memref<1x80x80xf32, #tpu.memory_space<vmem>>
      %dma_start3A_199 = tpu.memref_squeeze %dma_start3A_198 : memref<1x80x80xf32, #tpu.memory_space<vmem>> -> memref<80x80xf32, #tpu.memory_space<vmem>>
      %dma_start3A_200 = arith.constant 0 : i32
      %dma_start3A_201 = tpu.memref_slice %arg11[%dma_start3A_195, %dma_start3A_200] : memref<10x80xi32, #tpu.memory_space<vmem>> -> memref<1x80xi32, #tpu.memory_space<vmem>>
      %dma_start3A_202 = tpu.memref_squeeze %dma_start3A_201 : memref<1x80xi32, #tpu.memory_space<vmem>> -> memref<80xi32, #tpu.memory_space<vmem>>
      %dma_start3A_203 = arith.constant 0 : i32
      %dma_start3A_204 = arith.constant 0 : i32
      %dma_start3A_205 = tpu.memref_slice %arg15[%dma_start3A_203, %dma_start3A_204] : memref<10240x80xf32, #tpu.memory_space<vmem_shared>> -> memref<10240x80xf32, #tpu.memory_space<vmem_shared>>
      tpu.enqueue_indirect_dma source(%dma_start3A_199 : memref<80x80xf32, #tpu.memory_space<vmem>>) target(%dma_start3A_205 : memref<10240x80xf32, #tpu.memory_space<vmem_shared>>) offsets(%dma_start3A_202 : memref<80xi32, #tpu.memory_space<vmem>>) semaphore(%arg20 : memref<!tpu.dma_semaphore, #tpu.memory_space<semaphore_mem>>) {add = true}
      %eq3A_206 = arith.constant 0 : i32
      %eq3A_207 = arith.cmpi eq, %arg0, %eq3A_206 : i32
      %convert_element_type3A_208 = arith.extui %eq3A_207 : i1 to i32
      %cond3A_209 = arith.constant 0 : i32
      %cond3A_210 = arith.cmpi ne, %convert_element_type3A_208, %cond3A_209 : i32
      scf.if %cond3A_210 {
        %run_scoped3A = arith.constant 2 : i32
        "tpu.region"() ({
          %run_scoped3A_546 = tpu.sem_alloc : memref<!tpu.dma_semaphore, #tpu.memory_space<semaphore_mem>>
          %dma_start3A_547 = arith.constant 160 : i32
          %dma_start3A_548 = arith.constant 0 : i32
          %dma_start3A_549 = tpu.memref_slice %arg14[%dma_start3A_547, %dma_start3A_548] : memref<800x16xf32, #tpu.memory_space<vmem>> -> memref<80x16xf32, #tpu.memory_space<vmem>>
          %dma_start3A_550 = arith.constant 0 : i32
          %dma_start3A_551 = tpu.memref_slice %arg11[%run_scoped3A, %dma_start3A_550] : memref<10x80xi32, #tpu.memory_space<vmem>> -> memref<1x80xi32, #tpu.memory_space<vmem>>
          %dma_start3A_552 = tpu.memref_squeeze %dma_start3A_551 : memref<1x80xi32, #tpu.memory_space<vmem>> -> memref<80xi32, #tpu.memory_space<vmem>>
          %dma_start3A_553 = arith.constant 0 : i32
          %dma_start3A_554 = arith.constant 0 : i32
          %dma_start3A_555 = tpu.memref_slice %arg16[%dma_start3A_553, %dma_start3A_554] : memref<10240x16xf32, #tpu.memory_space<vmem_shared>> -> memref<10240x16xf32, #tpu.memory_space<vmem_shared>>
          tpu.enqueue_indirect_dma source(%dma_start3A_549 : memref<80x16xf32, #tpu.memory_space<vmem>>) target(%dma_start3A_555 : memref<10240x16xf32, #tpu.memory_space<vmem_shared>>) offsets(%dma_start3A_552 : memref<80xi32, #tpu.memory_space<vmem>>) semaphore(%run_scoped3A_546 : memref<!tpu.dma_semaphore, #tpu.memory_space<semaphore_mem>>) {add = true}
          %dma_wait3A_556 = arith.constant 160 : i32
          %dma_wait3A_557 = arith.constant 0 : i32
          %dma_wait3A_558 = tpu.memref_slice %arg14[%dma_wait3A_556, %dma_wait3A_557] : memref<800x16xf32, #tpu.memory_space<vmem>> -> memref<80x16xf32, #tpu.memory_space<vmem>>
          %dma_wait3A_559 = arith.constant 0 : i32
          %dma_wait3A_560 = tpu.memref_slice %arg11[%run_scoped3A, %dma_wait3A_559] : memref<10x80xi32, #tpu.memory_space<vmem>> -> memref<1x80xi32, #tpu.memory_space<vmem>>
          %dma_wait3A_561 = tpu.memref_squeeze %dma_wait3A_560 : memref<1x80xi32, #tpu.memory_space<vmem>> -> memref<80xi32, #tpu.memory_space<vmem>>
          %dma_wait3A_562 = arith.constant 0 : i32
          %dma_wait3A_563 = arith.constant 0 : i32
          %dma_wait3A_564 = tpu.memref_slice %arg16[%dma_wait3A_562, %dma_wait3A_563] : memref<10240x16xf32, #tpu.memory_space<vmem_shared>> -> memref<10240x16xf32, #tpu.memory_space<vmem_shared>>
          tpu.wait_indirect_dma semaphore(%run_scoped3A_546 : memref<!tpu.dma_semaphore, #tpu.memory_space<semaphore_mem>>) src(%dma_wait3A_558 : memref<80x16xf32, #tpu.memory_space<vmem>>) dst(%dma_wait3A_564 : memref<10240x16xf32, #tpu.memory_space<vmem_shared>>)
          tpu.yield
        }) : () -> ()
      } else {
      }
      %dma_start3A_211 = arith.constant 1 : i32
      %dma_start3A_212 = arith.constant 3 : i32
      %dma_start3A_213 = arith.constant 0 : i32
      %dma_start3A_214 = arith.constant 0 : i32
      %dma_start3A_215 = tpu.memref_slice %arg13[%dma_start3A_211, %dma_start3A_213, %dma_start3A_214] : memref<2x80x80xf32, #tpu.memory_space<vmem>> -> memref<1x80x80xf32, #tpu.memory_space<vmem>>
      %dma_start3A_216 = tpu.memref_squeeze %dma_start3A_215 : memref<1x80x80xf32, #tpu.memory_space<vmem>> -> memref<80x80xf32, #tpu.memory_space<vmem>>
      %dma_start3A_217 = arith.constant 0 : i32
      %dma_start3A_218 = tpu.memref_slice %arg11[%dma_start3A_212, %dma_start3A_217] : memref<10x80xi32, #tpu.memory_space<vmem>> -> memref<1x80xi32, #tpu.memory_space<vmem>>
      %dma_start3A_219 = tpu.memref_squeeze %dma_start3A_218 : memref<1x80xi32, #tpu.memory_space<vmem>> -> memref<80xi32, #tpu.memory_space<vmem>>
      %dma_start3A_220 = arith.constant 0 : i32
      %dma_start3A_221 = arith.constant 0 : i32
      %dma_start3A_222 = tpu.memref_slice %arg15[%dma_start3A_220, %dma_start3A_221] : memref<10240x80xf32, #tpu.memory_space<vmem_shared>> -> memref<10240x80xf32, #tpu.memory_space<vmem_shared>>
      tpu.enqueue_indirect_dma source(%dma_start3A_216 : memref<80x80xf32, #tpu.memory_space<vmem>>) target(%dma_start3A_222 : memref<10240x80xf32, #tpu.memory_space<vmem_shared>>) offsets(%dma_start3A_219 : memref<80xi32, #tpu.memory_space<vmem>>) semaphore(%arg20 : memref<!tpu.dma_semaphore, #tpu.memory_space<semaphore_mem>>) {add = true}
      %eq3A_223 = arith.constant 1 : i32
      %eq3A_224 = arith.cmpi eq, %arg0, %eq3A_223 : i32
      %convert_element_type3A_225 = arith.extui %eq3A_224 : i1 to i32
      %cond3A_226 = arith.constant 0 : i32
      %cond3A_227 = arith.cmpi ne, %convert_element_type3A_225, %cond3A_226 : i32
      scf.if %cond3A_227 {
        %run_scoped3A = arith.constant 3 : i32
        "tpu.region"() ({
          %run_scoped3A_546 = tpu.sem_alloc : memref<!tpu.dma_semaphore, #tpu.memory_space<semaphore_mem>>
          %dma_start3A_547 = arith.constant 240 : i32
          %dma_start3A_548 = arith.constant 0 : i32
          %dma_start3A_549 = tpu.memref_slice %arg14[%dma_start3A_547, %dma_start3A_548] : memref<800x16xf32, #tpu.memory_space<vmem>> -> memref<80x16xf32, #tpu.memory_space<vmem>>
          %dma_start3A_550 = arith.constant 0 : i32
          %dma_start3A_551 = tpu.memref_slice %arg11[%run_scoped3A, %dma_start3A_550] : memref<10x80xi32, #tpu.memory_space<vmem>> -> memref<1x80xi32, #tpu.memory_space<vmem>>
          %dma_start3A_552 = tpu.memref_squeeze %dma_start3A_551 : memref<1x80xi32, #tpu.memory_space<vmem>> -> memref<80xi32, #tpu.memory_space<vmem>>
          %dma_start3A_553 = arith.constant 0 : i32
          %dma_start3A_554 = arith.constant 0 : i32
          %dma_start3A_555 = tpu.memref_slice %arg16[%dma_start3A_553, %dma_start3A_554] : memref<10240x16xf32, #tpu.memory_space<vmem_shared>> -> memref<10240x16xf32, #tpu.memory_space<vmem_shared>>
          tpu.enqueue_indirect_dma source(%dma_start3A_549 : memref<80x16xf32, #tpu.memory_space<vmem>>) target(%dma_start3A_555 : memref<10240x16xf32, #tpu.memory_space<vmem_shared>>) offsets(%dma_start3A_552 : memref<80xi32, #tpu.memory_space<vmem>>) semaphore(%run_scoped3A_546 : memref<!tpu.dma_semaphore, #tpu.memory_space<semaphore_mem>>) {add = true}
          %dma_wait3A_556 = arith.constant 240 : i32
          %dma_wait3A_557 = arith.constant 0 : i32
          %dma_wait3A_558 = tpu.memref_slice %arg14[%dma_wait3A_556, %dma_wait3A_557] : memref<800x16xf32, #tpu.memory_space<vmem>> -> memref<80x16xf32, #tpu.memory_space<vmem>>
          %dma_wait3A_559 = arith.constant 0 : i32
          %dma_wait3A_560 = tpu.memref_slice %arg11[%run_scoped3A, %dma_wait3A_559] : memref<10x80xi32, #tpu.memory_space<vmem>> -> memref<1x80xi32, #tpu.memory_space<vmem>>
          %dma_wait3A_561 = tpu.memref_squeeze %dma_wait3A_560 : memref<1x80xi32, #tpu.memory_space<vmem>> -> memref<80xi32, #tpu.memory_space<vmem>>
          %dma_wait3A_562 = arith.constant 0 : i32
          %dma_wait3A_563 = arith.constant 0 : i32
          %dma_wait3A_564 = tpu.memref_slice %arg16[%dma_wait3A_562, %dma_wait3A_563] : memref<10240x16xf32, #tpu.memory_space<vmem_shared>> -> memref<10240x16xf32, #tpu.memory_space<vmem_shared>>
          tpu.wait_indirect_dma semaphore(%run_scoped3A_546 : memref<!tpu.dma_semaphore, #tpu.memory_space<semaphore_mem>>) src(%dma_wait3A_558 : memref<80x16xf32, #tpu.memory_space<vmem>>) dst(%dma_wait3A_564 : memref<10240x16xf32, #tpu.memory_space<vmem_shared>>)
          tpu.yield
        }) : () -> ()
      } else {
      }
      %dma_wait3A_228 = arith.constant 4 : i32
      %dma_wait3A_229 = arith.constant 0 : i32
      %dma_wait3A_230 = arith.constant 0 : i32
      %dma_wait3A_231 = arith.constant 0 : i32
      %dma_wait3A_232 = tpu.memref_slice %arg12[%dma_wait3A_229, %dma_wait3A_230, %dma_wait3A_231] : memref<2x80x80xf32, #tpu.memory_space<vmem>> -> memref<1x80x80xf32, #tpu.memory_space<vmem>>
      %dma_wait3A_233 = tpu.memref_squeeze %dma_wait3A_232 : memref<1x80x80xf32, #tpu.memory_space<vmem>> -> memref<80x80xf32, #tpu.memory_space<vmem>>
      %dma_wait3A_234 = arith.constant 0 : i32
      %dma_wait3A_235 = tpu.memref_slice %arg10[%dma_wait3A_228, %dma_wait3A_234] : memref<10x80xi32, #tpu.memory_space<vmem>> -> memref<1x80xi32, #tpu.memory_space<vmem>>
      %dma_wait3A_236 = tpu.memref_squeeze %dma_wait3A_235 : memref<1x80xi32, #tpu.memory_space<vmem>> -> memref<80xi32, #tpu.memory_space<vmem>>
      %dma_wait3A_237 = arith.constant 0 : i32
      %dma_wait3A_238 = arith.constant 0 : i32
      %dma_wait3A_239 = tpu.memref_slice %arg2[%dma_wait3A_237, %dma_wait3A_238] : memref<20000x80xf32, #tpu.memory_space<hbm>> -> memref<20000x80xf32, #tpu.memory_space<hbm>>
      tpu.wait_indirect_dma semaphore(%arg17 : memref<!tpu.dma_semaphore, #tpu.memory_space<semaphore_mem>>) src(%dma_wait3A_239 : memref<20000x80xf32, #tpu.memory_space<hbm>>) dst(%dma_wait3A_233 : memref<80x80xf32, #tpu.memory_space<vmem>>)
      %dma_wait3A_240 = arith.constant 5 : i32
      %dma_wait3A_241 = arith.constant 1 : i32
      %dma_wait3A_242 = arith.constant 0 : i32
      %dma_wait3A_243 = arith.constant 0 : i32
      %dma_wait3A_244 = tpu.memref_slice %arg12[%dma_wait3A_241, %dma_wait3A_242, %dma_wait3A_243] : memref<2x80x80xf32, #tpu.memory_space<vmem>> -> memref<1x80x80xf32, #tpu.memory_space<vmem>>
      %dma_wait3A_245 = tpu.memref_squeeze %dma_wait3A_244 : memref<1x80x80xf32, #tpu.memory_space<vmem>> -> memref<80x80xf32, #tpu.memory_space<vmem>>
      %dma_wait3A_246 = arith.constant 0 : i32
      %dma_wait3A_247 = tpu.memref_slice %arg10[%dma_wait3A_240, %dma_wait3A_246] : memref<10x80xi32, #tpu.memory_space<vmem>> -> memref<1x80xi32, #tpu.memory_space<vmem>>
      %dma_wait3A_248 = tpu.memref_squeeze %dma_wait3A_247 : memref<1x80xi32, #tpu.memory_space<vmem>> -> memref<80xi32, #tpu.memory_space<vmem>>
      %dma_wait3A_249 = arith.constant 0 : i32
      %dma_wait3A_250 = arith.constant 0 : i32
      %dma_wait3A_251 = tpu.memref_slice %arg2[%dma_wait3A_249, %dma_wait3A_250] : memref<20000x80xf32, #tpu.memory_space<hbm>> -> memref<20000x80xf32, #tpu.memory_space<hbm>>
      tpu.wait_indirect_dma semaphore(%arg17 : memref<!tpu.dma_semaphore, #tpu.memory_space<semaphore_mem>>) src(%dma_wait3A_251 : memref<20000x80xf32, #tpu.memory_space<hbm>>) dst(%dma_wait3A_245 : memref<80x80xf32, #tpu.memory_space<vmem>>)
      %dma_wait3A_252 = arith.constant 0 : i32
      %dma_wait3A_253 = arith.constant 2 : i32
      %dma_wait3A_254 = arith.constant 0 : i32
      %dma_wait3A_255 = arith.constant 0 : i32
      %dma_wait3A_256 = tpu.memref_slice %arg13[%dma_wait3A_252, %dma_wait3A_254, %dma_wait3A_255] : memref<2x80x80xf32, #tpu.memory_space<vmem>> -> memref<1x80x80xf32, #tpu.memory_space<vmem>>
      %dma_wait3A_257 = tpu.memref_squeeze %dma_wait3A_256 : memref<1x80x80xf32, #tpu.memory_space<vmem>> -> memref<80x80xf32, #tpu.memory_space<vmem>>
      %dma_wait3A_258 = arith.constant 0 : i32
      %dma_wait3A_259 = tpu.memref_slice %arg11[%dma_wait3A_253, %dma_wait3A_258] : memref<10x80xi32, #tpu.memory_space<vmem>> -> memref<1x80xi32, #tpu.memory_space<vmem>>
      %dma_wait3A_260 = tpu.memref_squeeze %dma_wait3A_259 : memref<1x80xi32, #tpu.memory_space<vmem>> -> memref<80xi32, #tpu.memory_space<vmem>>
      %dma_wait3A_261 = arith.constant 0 : i32
      %dma_wait3A_262 = arith.constant 0 : i32
      %dma_wait3A_263 = tpu.memref_slice %arg15[%dma_wait3A_261, %dma_wait3A_262] : memref<10240x80xf32, #tpu.memory_space<vmem_shared>> -> memref<10240x80xf32, #tpu.memory_space<vmem_shared>>
      tpu.wait_indirect_dma semaphore(%arg20 : memref<!tpu.dma_semaphore, #tpu.memory_space<semaphore_mem>>) src(%dma_wait3A_257 : memref<80x80xf32, #tpu.memory_space<vmem>>) dst(%dma_wait3A_263 : memref<10240x80xf32, #tpu.memory_space<vmem_shared>>)
      %dma_wait3A_264 = arith.constant 1 : i32
      %dma_wait3A_265 = arith.constant 3 : i32
      %dma_wait3A_266 = arith.constant 0 : i32
      %dma_wait3A_267 = arith.constant 0 : i32
      %dma_wait3A_268 = tpu.memref_slice %arg13[%dma_wait3A_264, %dma_wait3A_266, %dma_wait3A_267] : memref<2x80x80xf32, #tpu.memory_space<vmem>> -> memref<1x80x80xf32, #tpu.memory_space<vmem>>
      %dma_wait3A_269 = tpu.memref_squeeze %dma_wait3A_268 : memref<1x80x80xf32, #tpu.memory_space<vmem>> -> memref<80x80xf32, #tpu.memory_space<vmem>>
      %dma_wait3A_270 = arith.constant 0 : i32
      %dma_wait3A_271 = tpu.memref_slice %arg11[%dma_wait3A_265, %dma_wait3A_270] : memref<10x80xi32, #tpu.memory_space<vmem>> -> memref<1x80xi32, #tpu.memory_space<vmem>>
      %dma_wait3A_272 = tpu.memref_squeeze %dma_wait3A_271 : memref<1x80xi32, #tpu.memory_space<vmem>> -> memref<80xi32, #tpu.memory_space<vmem>>
      %dma_wait3A_273 = arith.constant 0 : i32
      %dma_wait3A_274 = arith.constant 0 : i32
      %dma_wait3A_275 = tpu.memref_slice %arg15[%dma_wait3A_273, %dma_wait3A_274] : memref<10240x80xf32, #tpu.memory_space<vmem_shared>> -> memref<10240x80xf32, #tpu.memory_space<vmem_shared>>
      tpu.wait_indirect_dma semaphore(%arg20 : memref<!tpu.dma_semaphore, #tpu.memory_space<semaphore_mem>>) src(%dma_wait3A_269 : memref<80x80xf32, #tpu.memory_space<vmem>>) dst(%dma_wait3A_275 : memref<10240x80xf32, #tpu.memory_space<vmem_shared>>)
      %dma_start3A_276 = arith.constant 6 : i32
      %dma_start3A_277 = arith.constant 0 : i32
      %dma_start3A_278 = arith.constant 0 : i32
      %dma_start3A_279 = arith.constant 0 : i32
      %dma_start3A_280 = tpu.memref_slice %arg13[%dma_start3A_277, %dma_start3A_278, %dma_start3A_279] : memref<2x80x80xf32, #tpu.memory_space<vmem>> -> memref<1x80x80xf32, #tpu.memory_space<vmem>>
      %dma_start3A_281 = tpu.memref_squeeze %dma_start3A_280 : memref<1x80x80xf32, #tpu.memory_space<vmem>> -> memref<80x80xf32, #tpu.memory_space<vmem>>
      %dma_start3A_282 = arith.constant 0 : i32
      %dma_start3A_283 = tpu.memref_slice %arg10[%dma_start3A_276, %dma_start3A_282] : memref<10x80xi32, #tpu.memory_space<vmem>> -> memref<1x80xi32, #tpu.memory_space<vmem>>
      %dma_start3A_284 = tpu.memref_squeeze %dma_start3A_283 : memref<1x80xi32, #tpu.memory_space<vmem>> -> memref<80xi32, #tpu.memory_space<vmem>>
      %dma_start3A_285 = arith.constant 0 : i32
      %dma_start3A_286 = arith.constant 0 : i32
      %dma_start3A_287 = tpu.memref_slice %arg2[%dma_start3A_285, %dma_start3A_286] : memref<20000x80xf32, #tpu.memory_space<hbm>> -> memref<20000x80xf32, #tpu.memory_space<hbm>>
      tpu.enqueue_indirect_dma source(%dma_start3A_287 : memref<20000x80xf32, #tpu.memory_space<hbm>>) target(%dma_start3A_281 : memref<80x80xf32, #tpu.memory_space<vmem>>) offsets(%dma_start3A_284 : memref<80xi32, #tpu.memory_space<vmem>>) semaphore(%arg18 : memref<!tpu.dma_semaphore, #tpu.memory_space<semaphore_mem>>)
      %dma_start3A_288 = arith.constant 7 : i32
      %dma_start3A_289 = arith.constant 1 : i32
      %dma_start3A_290 = arith.constant 0 : i32
      %dma_start3A_291 = arith.constant 0 : i32
      %dma_start3A_292 = tpu.memref_slice %arg13[%dma_start3A_289, %dma_start3A_290, %dma_start3A_291] : memref<2x80x80xf32, #tpu.memory_space<vmem>> -> memref<1x80x80xf32, #tpu.memory_space<vmem>>
      %dma_start3A_293 = tpu.memref_squeeze %dma_start3A_292 : memref<1x80x80xf32, #tpu.memory_space<vmem>> -> memref<80x80xf32, #tpu.memory_space<vmem>>
      %dma_start3A_294 = arith.constant 0 : i32
      %dma_start3A_295 = tpu.memref_slice %arg10[%dma_start3A_288, %dma_start3A_294] : memref<10x80xi32, #tpu.memory_space<vmem>> -> memref<1x80xi32, #tpu.memory_space<vmem>>
      %dma_start3A_296 = tpu.memref_squeeze %dma_start3A_295 : memref<1x80xi32, #tpu.memory_space<vmem>> -> memref<80xi32, #tpu.memory_space<vmem>>
      %dma_start3A_297 = arith.constant 0 : i32
      %dma_start3A_298 = arith.constant 0 : i32
      %dma_start3A_299 = tpu.memref_slice %arg2[%dma_start3A_297, %dma_start3A_298] : memref<20000x80xf32, #tpu.memory_space<hbm>> -> memref<20000x80xf32, #tpu.memory_space<hbm>>
      tpu.enqueue_indirect_dma source(%dma_start3A_299 : memref<20000x80xf32, #tpu.memory_space<hbm>>) target(%dma_start3A_293 : memref<80x80xf32, #tpu.memory_space<vmem>>) offsets(%dma_start3A_296 : memref<80xi32, #tpu.memory_space<vmem>>) semaphore(%arg18 : memref<!tpu.dma_semaphore, #tpu.memory_space<semaphore_mem>>)
      %dma_start3A_300 = arith.constant 0 : i32
      %dma_start3A_301 = arith.constant 4 : i32
      %dma_start3A_302 = arith.constant 0 : i32
      %dma_start3A_303 = arith.constant 0 : i32
      %dma_start3A_304 = tpu.memref_slice %arg12[%dma_start3A_300, %dma_start3A_302, %dma_start3A_303] : memref<2x80x80xf32, #tpu.memory_space<vmem>> -> memref<1x80x80xf32, #tpu.memory_space<vmem>>
      %dma_start3A_305 = tpu.memref_squeeze %dma_start3A_304 : memref<1x80x80xf32, #tpu.memory_space<vmem>> -> memref<80x80xf32, #tpu.memory_space<vmem>>
      %dma_start3A_306 = arith.constant 0 : i32
      %dma_start3A_307 = tpu.memref_slice %arg11[%dma_start3A_301, %dma_start3A_306] : memref<10x80xi32, #tpu.memory_space<vmem>> -> memref<1x80xi32, #tpu.memory_space<vmem>>
      %dma_start3A_308 = tpu.memref_squeeze %dma_start3A_307 : memref<1x80xi32, #tpu.memory_space<vmem>> -> memref<80xi32, #tpu.memory_space<vmem>>
      %dma_start3A_309 = arith.constant 0 : i32
      %dma_start3A_310 = arith.constant 0 : i32
      %dma_start3A_311 = tpu.memref_slice %arg15[%dma_start3A_309, %dma_start3A_310] : memref<10240x80xf32, #tpu.memory_space<vmem_shared>> -> memref<10240x80xf32, #tpu.memory_space<vmem_shared>>
      tpu.enqueue_indirect_dma source(%dma_start3A_305 : memref<80x80xf32, #tpu.memory_space<vmem>>) target(%dma_start3A_311 : memref<10240x80xf32, #tpu.memory_space<vmem_shared>>) offsets(%dma_start3A_308 : memref<80xi32, #tpu.memory_space<vmem>>) semaphore(%arg19 : memref<!tpu.dma_semaphore, #tpu.memory_space<semaphore_mem>>) {add = true}
      %eq3A_312 = arith.constant 0 : i32
      %eq3A_313 = arith.cmpi eq, %arg0, %eq3A_312 : i32
      %convert_element_type3A_314 = arith.extui %eq3A_313 : i1 to i32
      %cond3A_315 = arith.constant 0 : i32
      %cond3A_316 = arith.cmpi ne, %convert_element_type3A_314, %cond3A_315 : i32
      scf.if %cond3A_316 {
        %run_scoped3A = arith.constant 4 : i32
        "tpu.region"() ({
          %run_scoped3A_546 = tpu.sem_alloc : memref<!tpu.dma_semaphore, #tpu.memory_space<semaphore_mem>>
          %dma_start3A_547 = arith.constant 320 : i32
          %dma_start3A_548 = arith.constant 0 : i32
          %dma_start3A_549 = tpu.memref_slice %arg14[%dma_start3A_547, %dma_start3A_548] : memref<800x16xf32, #tpu.memory_space<vmem>> -> memref<80x16xf32, #tpu.memory_space<vmem>>
          %dma_start3A_550 = arith.constant 0 : i32
          %dma_start3A_551 = tpu.memref_slice %arg11[%run_scoped3A, %dma_start3A_550] : memref<10x80xi32, #tpu.memory_space<vmem>> -> memref<1x80xi32, #tpu.memory_space<vmem>>
          %dma_start3A_552 = tpu.memref_squeeze %dma_start3A_551 : memref<1x80xi32, #tpu.memory_space<vmem>> -> memref<80xi32, #tpu.memory_space<vmem>>
          %dma_start3A_553 = arith.constant 0 : i32
          %dma_start3A_554 = arith.constant 0 : i32
          %dma_start3A_555 = tpu.memref_slice %arg16[%dma_start3A_553, %dma_start3A_554] : memref<10240x16xf32, #tpu.memory_space<vmem_shared>> -> memref<10240x16xf32, #tpu.memory_space<vmem_shared>>
          tpu.enqueue_indirect_dma source(%dma_start3A_549 : memref<80x16xf32, #tpu.memory_space<vmem>>) target(%dma_start3A_555 : memref<10240x16xf32, #tpu.memory_space<vmem_shared>>) offsets(%dma_start3A_552 : memref<80xi32, #tpu.memory_space<vmem>>) semaphore(%run_scoped3A_546 : memref<!tpu.dma_semaphore, #tpu.memory_space<semaphore_mem>>) {add = true}
          %dma_wait3A_556 = arith.constant 320 : i32
          %dma_wait3A_557 = arith.constant 0 : i32
          %dma_wait3A_558 = tpu.memref_slice %arg14[%dma_wait3A_556, %dma_wait3A_557] : memref<800x16xf32, #tpu.memory_space<vmem>> -> memref<80x16xf32, #tpu.memory_space<vmem>>
          %dma_wait3A_559 = arith.constant 0 : i32
          %dma_wait3A_560 = tpu.memref_slice %arg11[%run_scoped3A, %dma_wait3A_559] : memref<10x80xi32, #tpu.memory_space<vmem>> -> memref<1x80xi32, #tpu.memory_space<vmem>>
          %dma_wait3A_561 = tpu.memref_squeeze %dma_wait3A_560 : memref<1x80xi32, #tpu.memory_space<vmem>> -> memref<80xi32, #tpu.memory_space<vmem>>
          %dma_wait3A_562 = arith.constant 0 : i32
          %dma_wait3A_563 = arith.constant 0 : i32
          %dma_wait3A_564 = tpu.memref_slice %arg16[%dma_wait3A_562, %dma_wait3A_563] : memref<10240x16xf32, #tpu.memory_space<vmem_shared>> -> memref<10240x16xf32, #tpu.memory_space<vmem_shared>>
          tpu.wait_indirect_dma semaphore(%run_scoped3A_546 : memref<!tpu.dma_semaphore, #tpu.memory_space<semaphore_mem>>) src(%dma_wait3A_558 : memref<80x16xf32, #tpu.memory_space<vmem>>) dst(%dma_wait3A_564 : memref<10240x16xf32, #tpu.memory_space<vmem_shared>>)
          tpu.yield
        }) : () -> ()
      } else {
      }
      %dma_start3A_317 = arith.constant 1 : i32
      %dma_start3A_318 = arith.constant 5 : i32
      %dma_start3A_319 = arith.constant 0 : i32
      %dma_start3A_320 = arith.constant 0 : i32
      %dma_start3A_321 = tpu.memref_slice %arg12[%dma_start3A_317, %dma_start3A_319, %dma_start3A_320] : memref<2x80x80xf32, #tpu.memory_space<vmem>> -> memref<1x80x80xf32, #tpu.memory_space<vmem>>
      %dma_start3A_322 = tpu.memref_squeeze %dma_start3A_321 : memref<1x80x80xf32, #tpu.memory_space<vmem>> -> memref<80x80xf32, #tpu.memory_space<vmem>>
      %dma_start3A_323 = arith.constant 0 : i32
      %dma_start3A_324 = tpu.memref_slice %arg11[%dma_start3A_318, %dma_start3A_323] : memref<10x80xi32, #tpu.memory_space<vmem>> -> memref<1x80xi32, #tpu.memory_space<vmem>>
      %dma_start3A_325 = tpu.memref_squeeze %dma_start3A_324 : memref<1x80xi32, #tpu.memory_space<vmem>> -> memref<80xi32, #tpu.memory_space<vmem>>
      %dma_start3A_326 = arith.constant 0 : i32
      %dma_start3A_327 = arith.constant 0 : i32
      %dma_start3A_328 = tpu.memref_slice %arg15[%dma_start3A_326, %dma_start3A_327] : memref<10240x80xf32, #tpu.memory_space<vmem_shared>> -> memref<10240x80xf32, #tpu.memory_space<vmem_shared>>
      tpu.enqueue_indirect_dma source(%dma_start3A_322 : memref<80x80xf32, #tpu.memory_space<vmem>>) target(%dma_start3A_328 : memref<10240x80xf32, #tpu.memory_space<vmem_shared>>) offsets(%dma_start3A_325 : memref<80xi32, #tpu.memory_space<vmem>>) semaphore(%arg19 : memref<!tpu.dma_semaphore, #tpu.memory_space<semaphore_mem>>) {add = true}
      %eq3A_329 = arith.constant 1 : i32
      %eq3A_330 = arith.cmpi eq, %arg0, %eq3A_329 : i32
      %convert_element_type3A_331 = arith.extui %eq3A_330 : i1 to i32
      %cond3A_332 = arith.constant 0 : i32
      %cond3A_333 = arith.cmpi ne, %convert_element_type3A_331, %cond3A_332 : i32
      scf.if %cond3A_333 {
        %run_scoped3A = arith.constant 5 : i32
        "tpu.region"() ({
          %run_scoped3A_546 = tpu.sem_alloc : memref<!tpu.dma_semaphore, #tpu.memory_space<semaphore_mem>>
          %dma_start3A_547 = arith.constant 400 : i32
          %dma_start3A_548 = arith.constant 0 : i32
          %dma_start3A_549 = tpu.memref_slice %arg14[%dma_start3A_547, %dma_start3A_548] : memref<800x16xf32, #tpu.memory_space<vmem>> -> memref<80x16xf32, #tpu.memory_space<vmem>>
          %dma_start3A_550 = arith.constant 0 : i32
          %dma_start3A_551 = tpu.memref_slice %arg11[%run_scoped3A, %dma_start3A_550] : memref<10x80xi32, #tpu.memory_space<vmem>> -> memref<1x80xi32, #tpu.memory_space<vmem>>
          %dma_start3A_552 = tpu.memref_squeeze %dma_start3A_551 : memref<1x80xi32, #tpu.memory_space<vmem>> -> memref<80xi32, #tpu.memory_space<vmem>>
          %dma_start3A_553 = arith.constant 0 : i32
          %dma_start3A_554 = arith.constant 0 : i32
          %dma_start3A_555 = tpu.memref_slice %arg16[%dma_start3A_553, %dma_start3A_554] : memref<10240x16xf32, #tpu.memory_space<vmem_shared>> -> memref<10240x16xf32, #tpu.memory_space<vmem_shared>>
          tpu.enqueue_indirect_dma source(%dma_start3A_549 : memref<80x16xf32, #tpu.memory_space<vmem>>) target(%dma_start3A_555 : memref<10240x16xf32, #tpu.memory_space<vmem_shared>>) offsets(%dma_start3A_552 : memref<80xi32, #tpu.memory_space<vmem>>) semaphore(%run_scoped3A_546 : memref<!tpu.dma_semaphore, #tpu.memory_space<semaphore_mem>>) {add = true}
          %dma_wait3A_556 = arith.constant 400 : i32
          %dma_wait3A_557 = arith.constant 0 : i32
          %dma_wait3A_558 = tpu.memref_slice %arg14[%dma_wait3A_556, %dma_wait3A_557] : memref<800x16xf32, #tpu.memory_space<vmem>> -> memref<80x16xf32, #tpu.memory_space<vmem>>
          %dma_wait3A_559 = arith.constant 0 : i32
          %dma_wait3A_560 = tpu.memref_slice %arg11[%run_scoped3A, %dma_wait3A_559] : memref<10x80xi32, #tpu.memory_space<vmem>> -> memref<1x80xi32, #tpu.memory_space<vmem>>
          %dma_wait3A_561 = tpu.memref_squeeze %dma_wait3A_560 : memref<1x80xi32, #tpu.memory_space<vmem>> -> memref<80xi32, #tpu.memory_space<vmem>>
          %dma_wait3A_562 = arith.constant 0 : i32
          %dma_wait3A_563 = arith.constant 0 : i32
          %dma_wait3A_564 = tpu.memref_slice %arg16[%dma_wait3A_562, %dma_wait3A_563] : memref<10240x16xf32, #tpu.memory_space<vmem_shared>> -> memref<10240x16xf32, #tpu.memory_space<vmem_shared>>
          tpu.wait_indirect_dma semaphore(%run_scoped3A_546 : memref<!tpu.dma_semaphore, #tpu.memory_space<semaphore_mem>>) src(%dma_wait3A_558 : memref<80x16xf32, #tpu.memory_space<vmem>>) dst(%dma_wait3A_564 : memref<10240x16xf32, #tpu.memory_space<vmem_shared>>)
          tpu.yield
        }) : () -> ()
      } else {
      }
      %dma_wait3A_334 = arith.constant 6 : i32
      %dma_wait3A_335 = arith.constant 0 : i32
      %dma_wait3A_336 = arith.constant 0 : i32
      %dma_wait3A_337 = arith.constant 0 : i32
      %dma_wait3A_338 = tpu.memref_slice %arg13[%dma_wait3A_335, %dma_wait3A_336, %dma_wait3A_337] : memref<2x80x80xf32, #tpu.memory_space<vmem>> -> memref<1x80x80xf32, #tpu.memory_space<vmem>>
      %dma_wait3A_339 = tpu.memref_squeeze %dma_wait3A_338 : memref<1x80x80xf32, #tpu.memory_space<vmem>> -> memref<80x80xf32, #tpu.memory_space<vmem>>
      %dma_wait3A_340 = arith.constant 0 : i32
      %dma_wait3A_341 = tpu.memref_slice %arg10[%dma_wait3A_334, %dma_wait3A_340] : memref<10x80xi32, #tpu.memory_space<vmem>> -> memref<1x80xi32, #tpu.memory_space<vmem>>
      %dma_wait3A_342 = tpu.memref_squeeze %dma_wait3A_341 : memref<1x80xi32, #tpu.memory_space<vmem>> -> memref<80xi32, #tpu.memory_space<vmem>>
      %dma_wait3A_343 = arith.constant 0 : i32
      %dma_wait3A_344 = arith.constant 0 : i32
      %dma_wait3A_345 = tpu.memref_slice %arg2[%dma_wait3A_343, %dma_wait3A_344] : memref<20000x80xf32, #tpu.memory_space<hbm>> -> memref<20000x80xf32, #tpu.memory_space<hbm>>
      tpu.wait_indirect_dma semaphore(%arg18 : memref<!tpu.dma_semaphore, #tpu.memory_space<semaphore_mem>>) src(%dma_wait3A_345 : memref<20000x80xf32, #tpu.memory_space<hbm>>) dst(%dma_wait3A_339 : memref<80x80xf32, #tpu.memory_space<vmem>>)
      %dma_wait3A_346 = arith.constant 7 : i32
      %dma_wait3A_347 = arith.constant 1 : i32
      %dma_wait3A_348 = arith.constant 0 : i32
      %dma_wait3A_349 = arith.constant 0 : i32
      %dma_wait3A_350 = tpu.memref_slice %arg13[%dma_wait3A_347, %dma_wait3A_348, %dma_wait3A_349] : memref<2x80x80xf32, #tpu.memory_space<vmem>> -> memref<1x80x80xf32, #tpu.memory_space<vmem>>
      %dma_wait3A_351 = tpu.memref_squeeze %dma_wait3A_350 : memref<1x80x80xf32, #tpu.memory_space<vmem>> -> memref<80x80xf32, #tpu.memory_space<vmem>>
      %dma_wait3A_352 = arith.constant 0 : i32
      %dma_wait3A_353 = tpu.memref_slice %arg10[%dma_wait3A_346, %dma_wait3A_352] : memref<10x80xi32, #tpu.memory_space<vmem>> -> memref<1x80xi32, #tpu.memory_space<vmem>>
      %dma_wait3A_354 = tpu.memref_squeeze %dma_wait3A_353 : memref<1x80xi32, #tpu.memory_space<vmem>> -> memref<80xi32, #tpu.memory_space<vmem>>
      %dma_wait3A_355 = arith.constant 0 : i32
      %dma_wait3A_356 = arith.constant 0 : i32
      %dma_wait3A_357 = tpu.memref_slice %arg2[%dma_wait3A_355, %dma_wait3A_356] : memref<20000x80xf32, #tpu.memory_space<hbm>> -> memref<20000x80xf32, #tpu.memory_space<hbm>>
      tpu.wait_indirect_dma semaphore(%arg18 : memref<!tpu.dma_semaphore, #tpu.memory_space<semaphore_mem>>) src(%dma_wait3A_357 : memref<20000x80xf32, #tpu.memory_space<hbm>>) dst(%dma_wait3A_351 : memref<80x80xf32, #tpu.memory_space<vmem>>)
      %dma_wait3A_358 = arith.constant 0 : i32
      %dma_wait3A_359 = arith.constant 4 : i32
      %dma_wait3A_360 = arith.constant 0 : i32
      %dma_wait3A_361 = arith.constant 0 : i32
      %dma_wait3A_362 = tpu.memref_slice %arg12[%dma_wait3A_358, %dma_wait3A_360, %dma_wait3A_361] : memref<2x80x80xf32, #tpu.memory_space<vmem>> -> memref<1x80x80xf32, #tpu.memory_space<vmem>>
      %dma_wait3A_363 = tpu.memref_squeeze %dma_wait3A_362 : memref<1x80x80xf32, #tpu.memory_space<vmem>> -> memref<80x80xf32, #tpu.memory_space<vmem>>
      %dma_wait3A_364 = arith.constant 0 : i32
      %dma_wait3A_365 = tpu.memref_slice %arg11[%dma_wait3A_359, %dma_wait3A_364] : memref<10x80xi32, #tpu.memory_space<vmem>> -> memref<1x80xi32, #tpu.memory_space<vmem>>
      %dma_wait3A_366 = tpu.memref_squeeze %dma_wait3A_365 : memref<1x80xi32, #tpu.memory_space<vmem>> -> memref<80xi32, #tpu.memory_space<vmem>>
      %dma_wait3A_367 = arith.constant 0 : i32
      %dma_wait3A_368 = arith.constant 0 : i32
      %dma_wait3A_369 = tpu.memref_slice %arg15[%dma_wait3A_367, %dma_wait3A_368] : memref<10240x80xf32, #tpu.memory_space<vmem_shared>> -> memref<10240x80xf32, #tpu.memory_space<vmem_shared>>
      tpu.wait_indirect_dma semaphore(%arg19 : memref<!tpu.dma_semaphore, #tpu.memory_space<semaphore_mem>>) src(%dma_wait3A_363 : memref<80x80xf32, #tpu.memory_space<vmem>>) dst(%dma_wait3A_369 : memref<10240x80xf32, #tpu.memory_space<vmem_shared>>)
      %dma_wait3A_370 = arith.constant 1 : i32
      %dma_wait3A_371 = arith.constant 5 : i32
      %dma_wait3A_372 = arith.constant 0 : i32
      %dma_wait3A_373 = arith.constant 0 : i32
      %dma_wait3A_374 = tpu.memref_slice %arg12[%dma_wait3A_370, %dma_wait3A_372, %dma_wait3A_373] : memref<2x80x80xf32, #tpu.memory_space<vmem>> -> memref<1x80x80xf32, #tpu.memory_space<vmem>>
      %dma_wait3A_375 = tpu.memref_squeeze %dma_wait3A_374 : memref<1x80x80xf32, #tpu.memory_space<vmem>> -> memref<80x80xf32, #tpu.memory_space<vmem>>
      %dma_wait3A_376 = arith.constant 0 : i32
      %dma_wait3A_377 = tpu.memref_slice %arg11[%dma_wait3A_371, %dma_wait3A_376] : memref<10x80xi32, #tpu.memory_space<vmem>> -> memref<1x80xi32, #tpu.memory_space<vmem>>
      %dma_wait3A_378 = tpu.memref_squeeze %dma_wait3A_377 : memref<1x80xi32, #tpu.memory_space<vmem>> -> memref<80xi32, #tpu.memory_space<vmem>>
      %dma_wait3A_379 = arith.constant 0 : i32
      %dma_wait3A_380 = arith.constant 0 : i32
      %dma_wait3A_381 = tpu.memref_slice %arg15[%dma_wait3A_379, %dma_wait3A_380] : memref<10240x80xf32, #tpu.memory_space<vmem_shared>> -> memref<10240x80xf32, #tpu.memory_space<vmem_shared>>
      tpu.wait_indirect_dma semaphore(%arg19 : memref<!tpu.dma_semaphore, #tpu.memory_space<semaphore_mem>>) src(%dma_wait3A_375 : memref<80x80xf32, #tpu.memory_space<vmem>>) dst(%dma_wait3A_381 : memref<10240x80xf32, #tpu.memory_space<vmem_shared>>)
      %dma_start3A_382 = arith.constant 8 : i32
      %dma_start3A_383 = arith.constant 0 : i32
      %dma_start3A_384 = arith.constant 0 : i32
      %dma_start3A_385 = arith.constant 0 : i32
      %dma_start3A_386 = tpu.memref_slice %arg12[%dma_start3A_383, %dma_start3A_384, %dma_start3A_385] : memref<2x80x80xf32, #tpu.memory_space<vmem>> -> memref<1x80x80xf32, #tpu.memory_space<vmem>>
      %dma_start3A_387 = tpu.memref_squeeze %dma_start3A_386 : memref<1x80x80xf32, #tpu.memory_space<vmem>> -> memref<80x80xf32, #tpu.memory_space<vmem>>
      %dma_start3A_388 = arith.constant 0 : i32
      %dma_start3A_389 = tpu.memref_slice %arg10[%dma_start3A_382, %dma_start3A_388] : memref<10x80xi32, #tpu.memory_space<vmem>> -> memref<1x80xi32, #tpu.memory_space<vmem>>
      %dma_start3A_390 = tpu.memref_squeeze %dma_start3A_389 : memref<1x80xi32, #tpu.memory_space<vmem>> -> memref<80xi32, #tpu.memory_space<vmem>>
      %dma_start3A_391 = arith.constant 0 : i32
      %dma_start3A_392 = arith.constant 0 : i32
      %dma_start3A_393 = tpu.memref_slice %arg2[%dma_start3A_391, %dma_start3A_392] : memref<20000x80xf32, #tpu.memory_space<hbm>> -> memref<20000x80xf32, #tpu.memory_space<hbm>>
      tpu.enqueue_indirect_dma source(%dma_start3A_393 : memref<20000x80xf32, #tpu.memory_space<hbm>>) target(%dma_start3A_387 : memref<80x80xf32, #tpu.memory_space<vmem>>) offsets(%dma_start3A_390 : memref<80xi32, #tpu.memory_space<vmem>>) semaphore(%arg17 : memref<!tpu.dma_semaphore, #tpu.memory_space<semaphore_mem>>)
      %dma_start3A_394 = arith.constant 9 : i32
      %dma_start3A_395 = arith.constant 1 : i32
      %dma_start3A_396 = arith.constant 0 : i32
      %dma_start3A_397 = arith.constant 0 : i32
      %dma_start3A_398 = tpu.memref_slice %arg12[%dma_start3A_395, %dma_start3A_396, %dma_start3A_397] : memref<2x80x80xf32, #tpu.memory_space<vmem>> -> memref<1x80x80xf32, #tpu.memory_space<vmem>>
      %dma_start3A_399 = tpu.memref_squeeze %dma_start3A_398 : memref<1x80x80xf32, #tpu.memory_space<vmem>> -> memref<80x80xf32, #tpu.memory_space<vmem>>
      %dma_start3A_400 = arith.constant 0 : i32
      %dma_start3A_401 = tpu.memref_slice %arg10[%dma_start3A_394, %dma_start3A_400] : memref<10x80xi32, #tpu.memory_space<vmem>> -> memref<1x80xi32, #tpu.memory_space<vmem>>
      %dma_start3A_402 = tpu.memref_squeeze %dma_start3A_401 : memref<1x80xi32, #tpu.memory_space<vmem>> -> memref<80xi32, #tpu.memory_space<vmem>>
      %dma_start3A_403 = arith.constant 0 : i32
      %dma_start3A_404 = arith.constant 0 : i32
      %dma_start3A_405 = tpu.memref_slice %arg2[%dma_start3A_403, %dma_start3A_404] : memref<20000x80xf32, #tpu.memory_space<hbm>> -> memref<20000x80xf32, #tpu.memory_space<hbm>>
      tpu.enqueue_indirect_dma source(%dma_start3A_405 : memref<20000x80xf32, #tpu.memory_space<hbm>>) target(%dma_start3A_399 : memref<80x80xf32, #tpu.memory_space<vmem>>) offsets(%dma_start3A_402 : memref<80xi32, #tpu.memory_space<vmem>>) semaphore(%arg17 : memref<!tpu.dma_semaphore, #tpu.memory_space<semaphore_mem>>)
      %dma_start3A_406 = arith.constant 0 : i32
      %dma_start3A_407 = arith.constant 6 : i32
      %dma_start3A_408 = arith.constant 0 : i32
      %dma_start3A_409 = arith.constant 0 : i32
      %dma_start3A_410 = tpu.memref_slice %arg13[%dma_start3A_406, %dma_start3A_408, %dma_start3A_409] : memref<2x80x80xf32, #tpu.memory_space<vmem>> -> memref<1x80x80xf32, #tpu.memory_space<vmem>>
      %dma_start3A_411 = tpu.memref_squeeze %dma_start3A_410 : memref<1x80x80xf32, #tpu.memory_space<vmem>> -> memref<80x80xf32, #tpu.memory_space<vmem>>
      %dma_start3A_412 = arith.constant 0 : i32
      %dma_start3A_413 = tpu.memref_slice %arg11[%dma_start3A_407, %dma_start3A_412] : memref<10x80xi32, #tpu.memory_space<vmem>> -> memref<1x80xi32, #tpu.memory_space<vmem>>
      %dma_start3A_414 = tpu.memref_squeeze %dma_start3A_413 : memref<1x80xi32, #tpu.memory_space<vmem>> -> memref<80xi32, #tpu.memory_space<vmem>>
      %dma_start3A_415 = arith.constant 0 : i32
      %dma_start3A_416 = arith.constant 0 : i32
      %dma_start3A_417 = tpu.memref_slice %arg15[%dma_start3A_415, %dma_start3A_416] : memref<10240x80xf32, #tpu.memory_space<vmem_shared>> -> memref<10240x80xf32, #tpu.memory_space<vmem_shared>>
      tpu.enqueue_indirect_dma source(%dma_start3A_411 : memref<80x80xf32, #tpu.memory_space<vmem>>) target(%dma_start3A_417 : memref<10240x80xf32, #tpu.memory_space<vmem_shared>>) offsets(%dma_start3A_414 : memref<80xi32, #tpu.memory_space<vmem>>) semaphore(%arg20 : memref<!tpu.dma_semaphore, #tpu.memory_space<semaphore_mem>>) {add = true}
      %eq3A_418 = arith.constant 0 : i32
      %eq3A_419 = arith.cmpi eq, %arg0, %eq3A_418 : i32
      %convert_element_type3A_420 = arith.extui %eq3A_419 : i1 to i32
      %cond3A_421 = arith.constant 0 : i32
      %cond3A_422 = arith.cmpi ne, %convert_element_type3A_420, %cond3A_421 : i32
      scf.if %cond3A_422 {
        %run_scoped3A = arith.constant 6 : i32
        "tpu.region"() ({
          %run_scoped3A_546 = tpu.sem_alloc : memref<!tpu.dma_semaphore, #tpu.memory_space<semaphore_mem>>
          %dma_start3A_547 = arith.constant 480 : i32
          %dma_start3A_548 = arith.constant 0 : i32
          %dma_start3A_549 = tpu.memref_slice %arg14[%dma_start3A_547, %dma_start3A_548] : memref<800x16xf32, #tpu.memory_space<vmem>> -> memref<80x16xf32, #tpu.memory_space<vmem>>
          %dma_start3A_550 = arith.constant 0 : i32
          %dma_start3A_551 = tpu.memref_slice %arg11[%run_scoped3A, %dma_start3A_550] : memref<10x80xi32, #tpu.memory_space<vmem>> -> memref<1x80xi32, #tpu.memory_space<vmem>>
          %dma_start3A_552 = tpu.memref_squeeze %dma_start3A_551 : memref<1x80xi32, #tpu.memory_space<vmem>> -> memref<80xi32, #tpu.memory_space<vmem>>
          %dma_start3A_553 = arith.constant 0 : i32
          %dma_start3A_554 = arith.constant 0 : i32
          %dma_start3A_555 = tpu.memref_slice %arg16[%dma_start3A_553, %dma_start3A_554] : memref<10240x16xf32, #tpu.memory_space<vmem_shared>> -> memref<10240x16xf32, #tpu.memory_space<vmem_shared>>
          tpu.enqueue_indirect_dma source(%dma_start3A_549 : memref<80x16xf32, #tpu.memory_space<vmem>>) target(%dma_start3A_555 : memref<10240x16xf32, #tpu.memory_space<vmem_shared>>) offsets(%dma_start3A_552 : memref<80xi32, #tpu.memory_space<vmem>>) semaphore(%run_scoped3A_546 : memref<!tpu.dma_semaphore, #tpu.memory_space<semaphore_mem>>) {add = true}
          %dma_wait3A_556 = arith.constant 480 : i32
          %dma_wait3A_557 = arith.constant 0 : i32
          %dma_wait3A_558 = tpu.memref_slice %arg14[%dma_wait3A_556, %dma_wait3A_557] : memref<800x16xf32, #tpu.memory_space<vmem>> -> memref<80x16xf32, #tpu.memory_space<vmem>>
          %dma_wait3A_559 = arith.constant 0 : i32
          %dma_wait3A_560 = tpu.memref_slice %arg11[%run_scoped3A, %dma_wait3A_559] : memref<10x80xi32, #tpu.memory_space<vmem>> -> memref<1x80xi32, #tpu.memory_space<vmem>>
          %dma_wait3A_561 = tpu.memref_squeeze %dma_wait3A_560 : memref<1x80xi32, #tpu.memory_space<vmem>> -> memref<80xi32, #tpu.memory_space<vmem>>
          %dma_wait3A_562 = arith.constant 0 : i32
          %dma_wait3A_563 = arith.constant 0 : i32
          %dma_wait3A_564 = tpu.memref_slice %arg16[%dma_wait3A_562, %dma_wait3A_563] : memref<10240x16xf32, #tpu.memory_space<vmem_shared>> -> memref<10240x16xf32, #tpu.memory_space<vmem_shared>>
          tpu.wait_indirect_dma semaphore(%run_scoped3A_546 : memref<!tpu.dma_semaphore, #tpu.memory_space<semaphore_mem>>) src(%dma_wait3A_558 : memref<80x16xf32, #tpu.memory_space<vmem>>) dst(%dma_wait3A_564 : memref<10240x16xf32, #tpu.memory_space<vmem_shared>>)
          tpu.yield
        }) : () -> ()
      } else {
      }
      %dma_start3A_423 = arith.constant 1 : i32
      %dma_start3A_424 = arith.constant 7 : i32
      %dma_start3A_425 = arith.constant 0 : i32
      %dma_start3A_426 = arith.constant 0 : i32
      %dma_start3A_427 = tpu.memref_slice %arg13[%dma_start3A_423, %dma_start3A_425, %dma_start3A_426] : memref<2x80x80xf32, #tpu.memory_space<vmem>> -> memref<1x80x80xf32, #tpu.memory_space<vmem>>
      %dma_start3A_428 = tpu.memref_squeeze %dma_start3A_427 : memref<1x80x80xf32, #tpu.memory_space<vmem>> -> memref<80x80xf32, #tpu.memory_space<vmem>>
      %dma_start3A_429 = arith.constant 0 : i32
      %dma_start3A_430 = tpu.memref_slice %arg11[%dma_start3A_424, %dma_start3A_429] : memref<10x80xi32, #tpu.memory_space<vmem>> -> memref<1x80xi32, #tpu.memory_space<vmem>>
      %dma_start3A_431 = tpu.memref_squeeze %dma_start3A_430 : memref<1x80xi32, #tpu.memory_space<vmem>> -> memref<80xi32, #tpu.memory_space<vmem>>
      %dma_start3A_432 = arith.constant 0 : i32
      %dma_start3A_433 = arith.constant 0 : i32
      %dma_start3A_434 = tpu.memref_slice %arg15[%dma_start3A_432, %dma_start3A_433] : memref<10240x80xf32, #tpu.memory_space<vmem_shared>> -> memref<10240x80xf32, #tpu.memory_space<vmem_shared>>
      tpu.enqueue_indirect_dma source(%dma_start3A_428 : memref<80x80xf32, #tpu.memory_space<vmem>>) target(%dma_start3A_434 : memref<10240x80xf32, #tpu.memory_space<vmem_shared>>) offsets(%dma_start3A_431 : memref<80xi32, #tpu.memory_space<vmem>>) semaphore(%arg20 : memref<!tpu.dma_semaphore, #tpu.memory_space<semaphore_mem>>) {add = true}
      %eq3A_435 = arith.constant 1 : i32
      %eq3A_436 = arith.cmpi eq, %arg0, %eq3A_435 : i32
      %convert_element_type3A_437 = arith.extui %eq3A_436 : i1 to i32
      %cond3A_438 = arith.constant 0 : i32
      %cond3A_439 = arith.cmpi ne, %convert_element_type3A_437, %cond3A_438 : i32
      scf.if %cond3A_439 {
        %run_scoped3A = arith.constant 7 : i32
        "tpu.region"() ({
          %run_scoped3A_546 = tpu.sem_alloc : memref<!tpu.dma_semaphore, #tpu.memory_space<semaphore_mem>>
          %dma_start3A_547 = arith.constant 560 : i32
          %dma_start3A_548 = arith.constant 0 : i32
          %dma_start3A_549 = tpu.memref_slice %arg14[%dma_start3A_547, %dma_start3A_548] : memref<800x16xf32, #tpu.memory_space<vmem>> -> memref<80x16xf32, #tpu.memory_space<vmem>>
          %dma_start3A_550 = arith.constant 0 : i32
          %dma_start3A_551 = tpu.memref_slice %arg11[%run_scoped3A, %dma_start3A_550] : memref<10x80xi32, #tpu.memory_space<vmem>> -> memref<1x80xi32, #tpu.memory_space<vmem>>
          %dma_start3A_552 = tpu.memref_squeeze %dma_start3A_551 : memref<1x80xi32, #tpu.memory_space<vmem>> -> memref<80xi32, #tpu.memory_space<vmem>>
          %dma_start3A_553 = arith.constant 0 : i32
          %dma_start3A_554 = arith.constant 0 : i32
          %dma_start3A_555 = tpu.memref_slice %arg16[%dma_start3A_553, %dma_start3A_554] : memref<10240x16xf32, #tpu.memory_space<vmem_shared>> -> memref<10240x16xf32, #tpu.memory_space<vmem_shared>>
          tpu.enqueue_indirect_dma source(%dma_start3A_549 : memref<80x16xf32, #tpu.memory_space<vmem>>) target(%dma_start3A_555 : memref<10240x16xf32, #tpu.memory_space<vmem_shared>>) offsets(%dma_start3A_552 : memref<80xi32, #tpu.memory_space<vmem>>) semaphore(%run_scoped3A_546 : memref<!tpu.dma_semaphore, #tpu.memory_space<semaphore_mem>>) {add = true}
          %dma_wait3A_556 = arith.constant 560 : i32
          %dma_wait3A_557 = arith.constant 0 : i32
          %dma_wait3A_558 = tpu.memref_slice %arg14[%dma_wait3A_556, %dma_wait3A_557] : memref<800x16xf32, #tpu.memory_space<vmem>> -> memref<80x16xf32, #tpu.memory_space<vmem>>
          %dma_wait3A_559 = arith.constant 0 : i32
          %dma_wait3A_560 = tpu.memref_slice %arg11[%run_scoped3A, %dma_wait3A_559] : memref<10x80xi32, #tpu.memory_space<vmem>> -> memref<1x80xi32, #tpu.memory_space<vmem>>
          %dma_wait3A_561 = tpu.memref_squeeze %dma_wait3A_560 : memref<1x80xi32, #tpu.memory_space<vmem>> -> memref<80xi32, #tpu.memory_space<vmem>>
          %dma_wait3A_562 = arith.constant 0 : i32
          %dma_wait3A_563 = arith.constant 0 : i32
          %dma_wait3A_564 = tpu.memref_slice %arg16[%dma_wait3A_562, %dma_wait3A_563] : memref<10240x16xf32, #tpu.memory_space<vmem_shared>> -> memref<10240x16xf32, #tpu.memory_space<vmem_shared>>
          tpu.wait_indirect_dma semaphore(%run_scoped3A_546 : memref<!tpu.dma_semaphore, #tpu.memory_space<semaphore_mem>>) src(%dma_wait3A_558 : memref<80x16xf32, #tpu.memory_space<vmem>>) dst(%dma_wait3A_564 : memref<10240x16xf32, #tpu.memory_space<vmem_shared>>)
          tpu.yield
        }) : () -> ()
      } else {
      }
      %dma_wait3A_440 = arith.constant 8 : i32
      %dma_wait3A_441 = arith.constant 0 : i32
      %dma_wait3A_442 = arith.constant 0 : i32
      %dma_wait3A_443 = arith.constant 0 : i32
      %dma_wait3A_444 = tpu.memref_slice %arg12[%dma_wait3A_441, %dma_wait3A_442, %dma_wait3A_443] : memref<2x80x80xf32, #tpu.memory_space<vmem>> -> memref<1x80x80xf32, #tpu.memory_space<vmem>>
      %dma_wait3A_445 = tpu.memref_squeeze %dma_wait3A_444 : memref<1x80x80xf32, #tpu.memory_space<vmem>> -> memref<80x80xf32, #tpu.memory_space<vmem>>
      %dma_wait3A_446 = arith.constant 0 : i32
      %dma_wait3A_447 = tpu.memref_slice %arg10[%dma_wait3A_440, %dma_wait3A_446] : memref<10x80xi32, #tpu.memory_space<vmem>> -> memref<1x80xi32, #tpu.memory_space<vmem>>
      %dma_wait3A_448 = tpu.memref_squeeze %dma_wait3A_447 : memref<1x80xi32, #tpu.memory_space<vmem>> -> memref<80xi32, #tpu.memory_space<vmem>>
      %dma_wait3A_449 = arith.constant 0 : i32
      %dma_wait3A_450 = arith.constant 0 : i32
      %dma_wait3A_451 = tpu.memref_slice %arg2[%dma_wait3A_449, %dma_wait3A_450] : memref<20000x80xf32, #tpu.memory_space<hbm>> -> memref<20000x80xf32, #tpu.memory_space<hbm>>
      tpu.wait_indirect_dma semaphore(%arg17 : memref<!tpu.dma_semaphore, #tpu.memory_space<semaphore_mem>>) src(%dma_wait3A_451 : memref<20000x80xf32, #tpu.memory_space<hbm>>) dst(%dma_wait3A_445 : memref<80x80xf32, #tpu.memory_space<vmem>>)
      %dma_wait3A_452 = arith.constant 9 : i32
      %dma_wait3A_453 = arith.constant 1 : i32
      %dma_wait3A_454 = arith.constant 0 : i32
      %dma_wait3A_455 = arith.constant 0 : i32
      %dma_wait3A_456 = tpu.memref_slice %arg12[%dma_wait3A_453, %dma_wait3A_454, %dma_wait3A_455] : memref<2x80x80xf32, #tpu.memory_space<vmem>> -> memref<1x80x80xf32, #tpu.memory_space<vmem>>
      %dma_wait3A_457 = tpu.memref_squeeze %dma_wait3A_456 : memref<1x80x80xf32, #tpu.memory_space<vmem>> -> memref<80x80xf32, #tpu.memory_space<vmem>>
      %dma_wait3A_458 = arith.constant 0 : i32
      %dma_wait3A_459 = tpu.memref_slice %arg10[%dma_wait3A_452, %dma_wait3A_458] : memref<10x80xi32, #tpu.memory_space<vmem>> -> memref<1x80xi32, #tpu.memory_space<vmem>>
      %dma_wait3A_460 = tpu.memref_squeeze %dma_wait3A_459 : memref<1x80xi32, #tpu.memory_space<vmem>> -> memref<80xi32, #tpu.memory_space<vmem>>
      %dma_wait3A_461 = arith.constant 0 : i32
      %dma_wait3A_462 = arith.constant 0 : i32
      %dma_wait3A_463 = tpu.memref_slice %arg2[%dma_wait3A_461, %dma_wait3A_462] : memref<20000x80xf32, #tpu.memory_space<hbm>> -> memref<20000x80xf32, #tpu.memory_space<hbm>>
      tpu.wait_indirect_dma semaphore(%arg17 : memref<!tpu.dma_semaphore, #tpu.memory_space<semaphore_mem>>) src(%dma_wait3A_463 : memref<20000x80xf32, #tpu.memory_space<hbm>>) dst(%dma_wait3A_457 : memref<80x80xf32, #tpu.memory_space<vmem>>)
      %dma_start3A_464 = arith.constant 0 : i32
      %dma_start3A_465 = arith.constant 8 : i32
      %dma_start3A_466 = arith.constant 0 : i32
      %dma_start3A_467 = arith.constant 0 : i32
      %dma_start3A_468 = tpu.memref_slice %arg12[%dma_start3A_464, %dma_start3A_466, %dma_start3A_467] : memref<2x80x80xf32, #tpu.memory_space<vmem>> -> memref<1x80x80xf32, #tpu.memory_space<vmem>>
      %dma_start3A_469 = tpu.memref_squeeze %dma_start3A_468 : memref<1x80x80xf32, #tpu.memory_space<vmem>> -> memref<80x80xf32, #tpu.memory_space<vmem>>
      %dma_start3A_470 = arith.constant 0 : i32
      %dma_start3A_471 = tpu.memref_slice %arg11[%dma_start3A_465, %dma_start3A_470] : memref<10x80xi32, #tpu.memory_space<vmem>> -> memref<1x80xi32, #tpu.memory_space<vmem>>
      %dma_start3A_472 = tpu.memref_squeeze %dma_start3A_471 : memref<1x80xi32, #tpu.memory_space<vmem>> -> memref<80xi32, #tpu.memory_space<vmem>>
      %dma_start3A_473 = arith.constant 0 : i32
      %dma_start3A_474 = arith.constant 0 : i32
      %dma_start3A_475 = tpu.memref_slice %arg15[%dma_start3A_473, %dma_start3A_474] : memref<10240x80xf32, #tpu.memory_space<vmem_shared>> -> memref<10240x80xf32, #tpu.memory_space<vmem_shared>>
      tpu.enqueue_indirect_dma source(%dma_start3A_469 : memref<80x80xf32, #tpu.memory_space<vmem>>) target(%dma_start3A_475 : memref<10240x80xf32, #tpu.memory_space<vmem_shared>>) offsets(%dma_start3A_472 : memref<80xi32, #tpu.memory_space<vmem>>) semaphore(%arg19 : memref<!tpu.dma_semaphore, #tpu.memory_space<semaphore_mem>>) {add = true}
      %eq3A_476 = arith.constant 0 : i32
      %eq3A_477 = arith.cmpi eq, %arg0, %eq3A_476 : i32
      %convert_element_type3A_478 = arith.extui %eq3A_477 : i1 to i32
      %cond3A_479 = arith.constant 0 : i32
      %cond3A_480 = arith.cmpi ne, %convert_element_type3A_478, %cond3A_479 : i32
      scf.if %cond3A_480 {
        %run_scoped3A = arith.constant 8 : i32
        "tpu.region"() ({
          %run_scoped3A_546 = tpu.sem_alloc : memref<!tpu.dma_semaphore, #tpu.memory_space<semaphore_mem>>
          %dma_start3A_547 = arith.constant 640 : i32
          %dma_start3A_548 = arith.constant 0 : i32
          %dma_start3A_549 = tpu.memref_slice %arg14[%dma_start3A_547, %dma_start3A_548] : memref<800x16xf32, #tpu.memory_space<vmem>> -> memref<80x16xf32, #tpu.memory_space<vmem>>
          %dma_start3A_550 = arith.constant 0 : i32
          %dma_start3A_551 = tpu.memref_slice %arg11[%run_scoped3A, %dma_start3A_550] : memref<10x80xi32, #tpu.memory_space<vmem>> -> memref<1x80xi32, #tpu.memory_space<vmem>>
          %dma_start3A_552 = tpu.memref_squeeze %dma_start3A_551 : memref<1x80xi32, #tpu.memory_space<vmem>> -> memref<80xi32, #tpu.memory_space<vmem>>
          %dma_start3A_553 = arith.constant 0 : i32
          %dma_start3A_554 = arith.constant 0 : i32
          %dma_start3A_555 = tpu.memref_slice %arg16[%dma_start3A_553, %dma_start3A_554] : memref<10240x16xf32, #tpu.memory_space<vmem_shared>> -> memref<10240x16xf32, #tpu.memory_space<vmem_shared>>
          tpu.enqueue_indirect_dma source(%dma_start3A_549 : memref<80x16xf32, #tpu.memory_space<vmem>>) target(%dma_start3A_555 : memref<10240x16xf32, #tpu.memory_space<vmem_shared>>) offsets(%dma_start3A_552 : memref<80xi32, #tpu.memory_space<vmem>>) semaphore(%run_scoped3A_546 : memref<!tpu.dma_semaphore, #tpu.memory_space<semaphore_mem>>) {add = true}
          %dma_wait3A_556 = arith.constant 640 : i32
          %dma_wait3A_557 = arith.constant 0 : i32
          %dma_wait3A_558 = tpu.memref_slice %arg14[%dma_wait3A_556, %dma_wait3A_557] : memref<800x16xf32, #tpu.memory_space<vmem>> -> memref<80x16xf32, #tpu.memory_space<vmem>>
          %dma_wait3A_559 = arith.constant 0 : i32
          %dma_wait3A_560 = tpu.memref_slice %arg11[%run_scoped3A, %dma_wait3A_559] : memref<10x80xi32, #tpu.memory_space<vmem>> -> memref<1x80xi32, #tpu.memory_space<vmem>>
          %dma_wait3A_561 = tpu.memref_squeeze %dma_wait3A_560 : memref<1x80xi32, #tpu.memory_space<vmem>> -> memref<80xi32, #tpu.memory_space<vmem>>
          %dma_wait3A_562 = arith.constant 0 : i32
          %dma_wait3A_563 = arith.constant 0 : i32
          %dma_wait3A_564 = tpu.memref_slice %arg16[%dma_wait3A_562, %dma_wait3A_563] : memref<10240x16xf32, #tpu.memory_space<vmem_shared>> -> memref<10240x16xf32, #tpu.memory_space<vmem_shared>>
          tpu.wait_indirect_dma semaphore(%run_scoped3A_546 : memref<!tpu.dma_semaphore, #tpu.memory_space<semaphore_mem>>) src(%dma_wait3A_558 : memref<80x16xf32, #tpu.memory_space<vmem>>) dst(%dma_wait3A_564 : memref<10240x16xf32, #tpu.memory_space<vmem_shared>>)
          tpu.yield
        }) : () -> ()
      } else {
      }
      %dma_start3A_481 = arith.constant 1 : i32
      %dma_start3A_482 = arith.constant 9 : i32
      %dma_start3A_483 = arith.constant 0 : i32
      %dma_start3A_484 = arith.constant 0 : i32
      %dma_start3A_485 = tpu.memref_slice %arg12[%dma_start3A_481, %dma_start3A_483, %dma_start3A_484] : memref<2x80x80xf32, #tpu.memory_space<vmem>> -> memref<1x80x80xf32, #tpu.memory_space<vmem>>
      %dma_start3A_486 = tpu.memref_squeeze %dma_start3A_485 : memref<1x80x80xf32, #tpu.memory_space<vmem>> -> memref<80x80xf32, #tpu.memory_space<vmem>>
      %dma_start3A_487 = arith.constant 0 : i32
      %dma_start3A_488 = tpu.memref_slice %arg11[%dma_start3A_482, %dma_start3A_487] : memref<10x80xi32, #tpu.memory_space<vmem>> -> memref<1x80xi32, #tpu.memory_space<vmem>>
      %dma_start3A_489 = tpu.memref_squeeze %dma_start3A_488 : memref<1x80xi32, #tpu.memory_space<vmem>> -> memref<80xi32, #tpu.memory_space<vmem>>
      %dma_start3A_490 = arith.constant 0 : i32
      %dma_start3A_491 = arith.constant 0 : i32
      %dma_start3A_492 = tpu.memref_slice %arg15[%dma_start3A_490, %dma_start3A_491] : memref<10240x80xf32, #tpu.memory_space<vmem_shared>> -> memref<10240x80xf32, #tpu.memory_space<vmem_shared>>
      tpu.enqueue_indirect_dma source(%dma_start3A_486 : memref<80x80xf32, #tpu.memory_space<vmem>>) target(%dma_start3A_492 : memref<10240x80xf32, #tpu.memory_space<vmem_shared>>) offsets(%dma_start3A_489 : memref<80xi32, #tpu.memory_space<vmem>>) semaphore(%arg19 : memref<!tpu.dma_semaphore, #tpu.memory_space<semaphore_mem>>) {add = true}
      %eq3A_493 = arith.constant 1 : i32
      %eq3A_494 = arith.cmpi eq, %arg0, %eq3A_493 : i32
      %convert_element_type3A_495 = arith.extui %eq3A_494 : i1 to i32
      %cond3A_496 = arith.constant 0 : i32
      %cond3A_497 = arith.cmpi ne, %convert_element_type3A_495, %cond3A_496 : i32
      scf.if %cond3A_497 {
        %run_scoped3A = arith.constant 9 : i32
        "tpu.region"() ({
          %run_scoped3A_546 = tpu.sem_alloc : memref<!tpu.dma_semaphore, #tpu.memory_space<semaphore_mem>>
          %dma_start3A_547 = arith.constant 720 : i32
          %dma_start3A_548 = arith.constant 0 : i32
          %dma_start3A_549 = tpu.memref_slice %arg14[%dma_start3A_547, %dma_start3A_548] : memref<800x16xf32, #tpu.memory_space<vmem>> -> memref<80x16xf32, #tpu.memory_space<vmem>>
          %dma_start3A_550 = arith.constant 0 : i32
          %dma_start3A_551 = tpu.memref_slice %arg11[%run_scoped3A, %dma_start3A_550] : memref<10x80xi32, #tpu.memory_space<vmem>> -> memref<1x80xi32, #tpu.memory_space<vmem>>
          %dma_start3A_552 = tpu.memref_squeeze %dma_start3A_551 : memref<1x80xi32, #tpu.memory_space<vmem>> -> memref<80xi32, #tpu.memory_space<vmem>>
          %dma_start3A_553 = arith.constant 0 : i32
          %dma_start3A_554 = arith.constant 0 : i32
          %dma_start3A_555 = tpu.memref_slice %arg16[%dma_start3A_553, %dma_start3A_554] : memref<10240x16xf32, #tpu.memory_space<vmem_shared>> -> memref<10240x16xf32, #tpu.memory_space<vmem_shared>>
          tpu.enqueue_indirect_dma source(%dma_start3A_549 : memref<80x16xf32, #tpu.memory_space<vmem>>) target(%dma_start3A_555 : memref<10240x16xf32, #tpu.memory_space<vmem_shared>>) offsets(%dma_start3A_552 : memref<80xi32, #tpu.memory_space<vmem>>) semaphore(%run_scoped3A_546 : memref<!tpu.dma_semaphore, #tpu.memory_space<semaphore_mem>>) {add = true}
          %dma_wait3A_556 = arith.constant 720 : i32
          %dma_wait3A_557 = arith.constant 0 : i32
          %dma_wait3A_558 = tpu.memref_slice %arg14[%dma_wait3A_556, %dma_wait3A_557] : memref<800x16xf32, #tpu.memory_space<vmem>> -> memref<80x16xf32, #tpu.memory_space<vmem>>
          %dma_wait3A_559 = arith.constant 0 : i32
          %dma_wait3A_560 = tpu.memref_slice %arg11[%run_scoped3A, %dma_wait3A_559] : memref<10x80xi32, #tpu.memory_space<vmem>> -> memref<1x80xi32, #tpu.memory_space<vmem>>
          %dma_wait3A_561 = tpu.memref_squeeze %dma_wait3A_560 : memref<1x80xi32, #tpu.memory_space<vmem>> -> memref<80xi32, #tpu.memory_space<vmem>>
          %dma_wait3A_562 = arith.constant 0 : i32
          %dma_wait3A_563 = arith.constant 0 : i32
          %dma_wait3A_564 = tpu.memref_slice %arg16[%dma_wait3A_562, %dma_wait3A_563] : memref<10240x16xf32, #tpu.memory_space<vmem_shared>> -> memref<10240x16xf32, #tpu.memory_space<vmem_shared>>
          tpu.wait_indirect_dma semaphore(%run_scoped3A_546 : memref<!tpu.dma_semaphore, #tpu.memory_space<semaphore_mem>>) src(%dma_wait3A_558 : memref<80x16xf32, #tpu.memory_space<vmem>>) dst(%dma_wait3A_564 : memref<10240x16xf32, #tpu.memory_space<vmem_shared>>)
          tpu.yield
        }) : () -> ()
      } else {
      }
      %dma_wait3A_498 = arith.constant 0 : i32
      %dma_wait3A_499 = arith.constant 6 : i32
      %dma_wait3A_500 = arith.constant 0 : i32
      %dma_wait3A_501 = arith.constant 0 : i32
      %dma_wait3A_502 = tpu.memref_slice %arg13[%dma_wait3A_498, %dma_wait3A_500, %dma_wait3A_501] : memref<2x80x80xf32, #tpu.memory_space<vmem>> -> memref<1x80x80xf32, #tpu.memory_space<vmem>>
      %dma_wait3A_503 = tpu.memref_squeeze %dma_wait3A_502 : memref<1x80x80xf32, #tpu.memory_space<vmem>> -> memref<80x80xf32, #tpu.memory_space<vmem>>
      %dma_wait3A_504 = arith.constant 0 : i32
      %dma_wait3A_505 = tpu.memref_slice %arg11[%dma_wait3A_499, %dma_wait3A_504] : memref<10x80xi32, #tpu.memory_space<vmem>> -> memref<1x80xi32, #tpu.memory_space<vmem>>
      %dma_wait3A_506 = tpu.memref_squeeze %dma_wait3A_505 : memref<1x80xi32, #tpu.memory_space<vmem>> -> memref<80xi32, #tpu.memory_space<vmem>>
      %dma_wait3A_507 = arith.constant 0 : i32
      %dma_wait3A_508 = arith.constant 0 : i32
      %dma_wait3A_509 = tpu.memref_slice %arg15[%dma_wait3A_507, %dma_wait3A_508] : memref<10240x80xf32, #tpu.memory_space<vmem_shared>> -> memref<10240x80xf32, #tpu.memory_space<vmem_shared>>
      tpu.wait_indirect_dma semaphore(%arg20 : memref<!tpu.dma_semaphore, #tpu.memory_space<semaphore_mem>>) src(%dma_wait3A_503 : memref<80x80xf32, #tpu.memory_space<vmem>>) dst(%dma_wait3A_509 : memref<10240x80xf32, #tpu.memory_space<vmem_shared>>)
      %dma_wait3A_510 = arith.constant 1 : i32
      %dma_wait3A_511 = arith.constant 7 : i32
      %dma_wait3A_512 = arith.constant 0 : i32
      %dma_wait3A_513 = arith.constant 0 : i32
      %dma_wait3A_514 = tpu.memref_slice %arg13[%dma_wait3A_510, %dma_wait3A_512, %dma_wait3A_513] : memref<2x80x80xf32, #tpu.memory_space<vmem>> -> memref<1x80x80xf32, #tpu.memory_space<vmem>>
      %dma_wait3A_515 = tpu.memref_squeeze %dma_wait3A_514 : memref<1x80x80xf32, #tpu.memory_space<vmem>> -> memref<80x80xf32, #tpu.memory_space<vmem>>
      %dma_wait3A_516 = arith.constant 0 : i32
      %dma_wait3A_517 = tpu.memref_slice %arg11[%dma_wait3A_511, %dma_wait3A_516] : memref<10x80xi32, #tpu.memory_space<vmem>> -> memref<1x80xi32, #tpu.memory_space<vmem>>
      %dma_wait3A_518 = tpu.memref_squeeze %dma_wait3A_517 : memref<1x80xi32, #tpu.memory_space<vmem>> -> memref<80xi32, #tpu.memory_space<vmem>>
      %dma_wait3A_519 = arith.constant 0 : i32
      %dma_wait3A_520 = arith.constant 0 : i32
      %dma_wait3A_521 = tpu.memref_slice %arg15[%dma_wait3A_519, %dma_wait3A_520] : memref<10240x80xf32, #tpu.memory_space<vmem_shared>> -> memref<10240x80xf32, #tpu.memory_space<vmem_shared>>
      tpu.wait_indirect_dma semaphore(%arg20 : memref<!tpu.dma_semaphore, #tpu.memory_space<semaphore_mem>>) src(%dma_wait3A_515 : memref<80x80xf32, #tpu.memory_space<vmem>>) dst(%dma_wait3A_521 : memref<10240x80xf32, #tpu.memory_space<vmem_shared>>)
      %dma_wait3A_522 = arith.constant 0 : i32
      %dma_wait3A_523 = arith.constant 8 : i32
      %dma_wait3A_524 = arith.constant 0 : i32
      %dma_wait3A_525 = arith.constant 0 : i32
      %dma_wait3A_526 = tpu.memref_slice %arg12[%dma_wait3A_522, %dma_wait3A_524, %dma_wait3A_525] : memref<2x80x80xf32, #tpu.memory_space<vmem>> -> memref<1x80x80xf32, #tpu.memory_space<vmem>>
      %dma_wait3A_527 = tpu.memref_squeeze %dma_wait3A_526 : memref<1x80x80xf32, #tpu.memory_space<vmem>> -> memref<80x80xf32, #tpu.memory_space<vmem>>
      %dma_wait3A_528 = arith.constant 0 : i32
      %dma_wait3A_529 = tpu.memref_slice %arg11[%dma_wait3A_523, %dma_wait3A_528] : memref<10x80xi32, #tpu.memory_space<vmem>> -> memref<1x80xi32, #tpu.memory_space<vmem>>
      %dma_wait3A_530 = tpu.memref_squeeze %dma_wait3A_529 : memref<1x80xi32, #tpu.memory_space<vmem>> -> memref<80xi32, #tpu.memory_space<vmem>>
      %dma_wait3A_531 = arith.constant 0 : i32
      %dma_wait3A_532 = arith.constant 0 : i32
      %dma_wait3A_533 = tpu.memref_slice %arg15[%dma_wait3A_531, %dma_wait3A_532] : memref<10240x80xf32, #tpu.memory_space<vmem_shared>> -> memref<10240x80xf32, #tpu.memory_space<vmem_shared>>
      tpu.wait_indirect_dma semaphore(%arg19 : memref<!tpu.dma_semaphore, #tpu.memory_space<semaphore_mem>>) src(%dma_wait3A_527 : memref<80x80xf32, #tpu.memory_space<vmem>>) dst(%dma_wait3A_533 : memref<10240x80xf32, #tpu.memory_space<vmem_shared>>)
      %dma_wait3A_534 = arith.constant 1 : i32
      %dma_wait3A_535 = arith.constant 9 : i32
      %dma_wait3A_536 = arith.constant 0 : i32
      %dma_wait3A_537 = arith.constant 0 : i32
      %dma_wait3A_538 = tpu.memref_slice %arg12[%dma_wait3A_534, %dma_wait3A_536, %dma_wait3A_537] : memref<2x80x80xf32, #tpu.memory_space<vmem>> -> memref<1x80x80xf32, #tpu.memory_space<vmem>>
      %dma_wait3A_539 = tpu.memref_squeeze %dma_wait3A_538 : memref<1x80x80xf32, #tpu.memory_space<vmem>> -> memref<80x80xf32, #tpu.memory_space<vmem>>
      %dma_wait3A_540 = arith.constant 0 : i32
      %dma_wait3A_541 = tpu.memref_slice %arg11[%dma_wait3A_535, %dma_wait3A_540] : memref<10x80xi32, #tpu.memory_space<vmem>> -> memref<1x80xi32, #tpu.memory_space<vmem>>
      %dma_wait3A_542 = tpu.memref_squeeze %dma_wait3A_541 : memref<1x80xi32, #tpu.memory_space<vmem>> -> memref<80xi32, #tpu.memory_space<vmem>>
      %dma_wait3A_543 = arith.constant 0 : i32
      %dma_wait3A_544 = arith.constant 0 : i32
      %dma_wait3A_545 = tpu.memref_slice %arg15[%dma_wait3A_543, %dma_wait3A_544] : memref<10240x80xf32, #tpu.memory_space<vmem_shared>> -> memref<10240x80xf32, #tpu.memory_space<vmem_shared>>
      tpu.wait_indirect_dma semaphore(%arg19 : memref<!tpu.dma_semaphore, #tpu.memory_space<semaphore_mem>>) src(%dma_wait3A_539 : memref<80x80xf32, #tpu.memory_space<vmem>>) dst(%dma_wait3A_545 : memref<10240x80xf32, #tpu.memory_space<vmem_shared>>)
    }
    %scan3A_5 = arith.constant 25 : i32
    %barrier3A_6 = arith.constant 0 : index
    tpu.barrier barrier_id(%barrier3A_6)
    "tpu.region"() ({
      %run_scoped3A = tpu.sem_alloc : memref<!tpu.dma_semaphore, #tpu.memory_space<semaphore_mem>>
      %dma_start3A = arith.constant 0 : i32
      %dma_start3A_7 = tpu.memref_slice %arg8[%arg0, %mul3A_0, %dma_start3A] : memref<2x10240x80xf32, #tpu.memory_space<hbm>> -> memref<1x640x80xf32, #tpu.memory_space<hbm>>
      %dma_start3A_8 = tpu.memref_squeeze %dma_start3A_7 : memref<1x640x80xf32, #tpu.memory_space<hbm>> -> memref<640x80xf32, #tpu.memory_space<hbm>>
      %dma_start3A_9 = arith.constant 0 : i32
      %dma_start3A_10 = tpu.memref_slice %arg15[%mul3A_0, %dma_start3A_9] : memref<10240x80xf32, #tpu.memory_space<vmem_shared>> -> memref<640x80xf32, #tpu.memory_space<vmem_shared>>
      tpu.enqueue_dma source(%dma_start3A_10 : memref<640x80xf32, #tpu.memory_space<vmem_shared>>) target(%dma_start3A_8 : memref<640x80xf32, #tpu.memory_space<hbm>>) target_semaphore(%run_scoped3A : memref<!tpu.dma_semaphore, #tpu.memory_space<semaphore_mem>>)
      %dma_wait3A = arith.constant 0 : i32
      %dma_wait3A_11 = tpu.memref_slice %arg8[%arg0, %mul3A_0, %dma_wait3A] : memref<2x10240x80xf32, #tpu.memory_space<hbm>> -> memref<1x640x80xf32, #tpu.memory_space<hbm>>
      %dma_wait3A_12 = tpu.memref_squeeze %dma_wait3A_11 : memref<1x640x80xf32, #tpu.memory_space<hbm>> -> memref<640x80xf32, #tpu.memory_space<hbm>>
      %dma_wait3A_13 = arith.constant 0 : i32
      %dma_wait3A_14 = tpu.memref_slice %arg15[%mul3A_0, %dma_wait3A_13] : memref<10240x80xf32, #tpu.memory_space<vmem_shared>> -> memref<640x80xf32, #tpu.memory_space<vmem_shared>>
      tpu.wait_dma2 semaphore(%run_scoped3A : memref<!tpu.dma_semaphore, #tpu.memory_space<semaphore_mem>>) src(%dma_wait3A_14 : memref<640x80xf32, #tpu.memory_space<vmem_shared>>) dst(%dma_wait3A_12 : memref<640x80xf32, #tpu.memory_space<hbm>>)
      tpu.yield
    }) : () -> ()
    "tpu.region"() ({
      %run_scoped3A = tpu.sem_alloc : memref<!tpu.dma_semaphore, #tpu.memory_space<semaphore_mem>>
      %dma_start3A = arith.constant 0 : i32
      %dma_start3A_7 = tpu.memref_slice %arg9[%arg0, %mul3A_0, %dma_start3A] : memref<2x10240x16xf32, #tpu.memory_space<hbm>> -> memref<1x640x16xf32, #tpu.memory_space<hbm>>
      %dma_start3A_8 = tpu.memref_squeeze %dma_start3A_7 : memref<1x640x16xf32, #tpu.memory_space<hbm>> -> memref<640x16xf32, #tpu.memory_space<hbm>>
      %dma_start3A_9 = arith.constant 0 : i32
      %dma_start3A_10 = tpu.memref_slice %arg16[%mul3A_0, %dma_start3A_9] : memref<10240x16xf32, #tpu.memory_space<vmem_shared>> -> memref<640x16xf32, #tpu.memory_space<vmem_shared>>
      tpu.enqueue_dma source(%dma_start3A_10 : memref<640x16xf32, #tpu.memory_space<vmem_shared>>) target(%dma_start3A_8 : memref<640x16xf32, #tpu.memory_space<hbm>>) target_semaphore(%run_scoped3A : memref<!tpu.dma_semaphore, #tpu.memory_space<semaphore_mem>>)
      %dma_wait3A = arith.constant 0 : i32
      %dma_wait3A_11 = tpu.memref_slice %arg9[%arg0, %mul3A_0, %dma_wait3A] : memref<2x10240x16xf32, #tpu.memory_space<hbm>> -> memref<1x640x16xf32, #tpu.memory_space<hbm>>
      %dma_wait3A_12 = tpu.memref_squeeze %dma_wait3A_11 : memref<1x640x16xf32, #tpu.memory_space<hbm>> -> memref<640x16xf32, #tpu.memory_space<hbm>>
      %dma_wait3A_13 = arith.constant 0 : i32
      %dma_wait3A_14 = tpu.memref_slice %arg16[%mul3A_0, %dma_wait3A_13] : memref<10240x16xf32, #tpu.memory_space<vmem_shared>> -> memref<640x16xf32, #tpu.memory_space<vmem_shared>>
      tpu.wait_dma2 semaphore(%run_scoped3A : memref<!tpu.dma_semaphore, #tpu.memory_space<semaphore_mem>>) src(%dma_wait3A_14 : memref<640x16xf32, #tpu.memory_space<vmem_shared>>) dst(%dma_wait3A_12 : memref<640x16xf32, #tpu.memory_space<hbm>>)
      tpu.yield
    }) : () -> ()
    return
  }
}

module attributes {stable_mosaic.version = 14 : i64} {
  func.func @_tc_body(%arg0: i32, %arg1: memref<1000x128xf32, #tpu.memory_space<vmem>>, %arg2: memref<2x1000x80xf32, #tpu.memory_space<vmem>>, %arg3: memref<2x1000x16xf32, #tpu.memory_space<vmem>>, %arg4: memref<128x128xf32, #tpu.memory_space<vmem>>, %arg5: memref<16x128xf32, #tpu.memory_space<vmem>>, %arg6: memref<128x128xf32, #tpu.memory_space<vmem>>, %arg7: memref<1x128xf32, #tpu.memory_space<vmem>>, %arg8: memref<1000x128xf32, #tpu.memory_space<vmem>>) attributes {dimension_semantics = [#tpu.dimension_semantics<arbitrary>], iteration_bounds = array<i64: 10>, scalar_prefetch = 0 : i64, scratch_operands = 0 : i64, tpu.core_type = #tpu.core_type<tc>, window_params = [{transform_indices = @transform_0, window_bounds = array<i64: 1000, 128>}, {transform_indices = @transform_1, window_bounds = array<i64: 2, 1000, 80>}, {transform_indices = @transform_2, window_bounds = array<i64: 2, 1000, 16>}, {pipeline_mode = #tpu.pipeline_mode<synchronous>, transform_indices = @transform_3, window_bounds = array<i64: 128, 128>}, {pipeline_mode = #tpu.pipeline_mode<synchronous>, transform_indices = @transform_4, window_bounds = array<i64: 16, 128>}, {pipeline_mode = #tpu.pipeline_mode<synchronous>, transform_indices = @transform_5, window_bounds = array<i64: 128, 128>}, {pipeline_mode = #tpu.pipeline_mode<synchronous>, transform_indices = @transform_6, window_bounds = array<i64: 1, 128>}, {transform_indices = @transform_7, window_bounds = array<i64: 1000, 128>}]} {
    %get3A = arith.constant 0 : index
    %get3A_0 = arith.constant 0 : index
    %get3A_1 = arith.constant 64 : index
    %get3A_2 = vector.load %arg2[%get3A, %get3A_0, %get3A_1] : memref<2x1000x80xf32, #tpu.memory_space<vmem>>, vector<1x1000x1xf32>
    %get3A_3 = vector.shape_cast %get3A_2 : vector<1x1000x1xf32> to vector<1000x1xf32>
    %get3A_4 = arith.constant 0 : index
    %get3A_5 = arith.constant 0 : index
    %get3A_6 = arith.constant 0 : index
    %get3A_7 = vector.load %arg3[%get3A_4, %get3A_5, %get3A_6] : memref<2x1000x16xf32, #tpu.memory_space<vmem>>, vector<1x1000x16xf32>
    %get3A_8 = vector.shape_cast %get3A_7 : vector<1x1000x16xf32> to vector<1000x16xf32>
    %get3A_9 = arith.constant 1 : index
    %get3A_10 = arith.constant 0 : index
    %get3A_11 = arith.constant 0 : index
    %get3A_12 = vector.load %arg3[%get3A_9, %get3A_10, %get3A_11] : memref<2x1000x16xf32, #tpu.memory_space<vmem>>, vector<1x1000x16xf32>
    %get3A_13 = vector.shape_cast %get3A_12 : vector<1x1000x16xf32> to vector<1000x16xf32>
    %add3A = arith.addf %get3A_8, %get3A_13 : vector<1000x16xf32>
    %get3A_14 = arith.constant 0 : index
    %get3A_15 = arith.constant 0 : index
    %get3A_16 = arith.constant 0 : index
    %get3A_17 = vector.load %arg2[%get3A_14, %get3A_15, %get3A_16] : memref<2x1000x80xf32, #tpu.memory_space<vmem>>, vector<1x1000x64xf32>
    %get3A_18 = vector.shape_cast %get3A_17 : vector<1x1000x64xf32> to vector<1000x64xf32>
    %get3A_19 = arith.constant 0 : index
    %get3A_20 = arith.constant 0 : index
    %get3A_21 = vector.load %arg4[%get3A_19, %get3A_20] : memref<128x128xf32, #tpu.memory_space<vmem>>, vector<64x128xf32>
    %dot_general3A = arith.constant dense<0.000000e+00> : vector<1000x128xf32>
    %dot_general3A_22 = tpu.matmul %get3A_18, %get3A_21, %dot_general3A {dimension_numbers = #tpu.dot_dimension_numbers<[1], [0], [0], [1], [0, 0, 1, 1], [], []>, transpose_lhs_hint = false} : vector<1000x64xf32>, vector<64x128xf32>, vector<1000x128xf32> -> vector<1000x128xf32>
    %get3A_23 = arith.constant 1 : index
    %get3A_24 = arith.constant 0 : index
    %get3A_25 = arith.constant 0 : index
    %get3A_26 = vector.load %arg2[%get3A_23, %get3A_24, %get3A_25] : memref<2x1000x80xf32, #tpu.memory_space<vmem>>, vector<1x1000x64xf32>
    %get3A_27 = vector.shape_cast %get3A_26 : vector<1x1000x64xf32> to vector<1000x64xf32>
    %get3A_28 = arith.constant 64 : index
    %get3A_29 = arith.constant 0 : index
    %get3A_30 = vector.load %arg4[%get3A_28, %get3A_29] : memref<128x128xf32, #tpu.memory_space<vmem>>, vector<64x128xf32>
    %dot_general3A_31 = arith.constant dense<0.000000e+00> : vector<1000x128xf32>
    %dot_general3A_32 = tpu.matmul %get3A_27, %get3A_30, %dot_general3A_31 {dimension_numbers = #tpu.dot_dimension_numbers<[1], [0], [0], [1], [0, 0, 1, 1], [], []>, transpose_lhs_hint = false} : vector<1000x64xf32>, vector<64x128xf32>, vector<1000x128xf32> -> vector<1000x128xf32>
    %add3A_33 = arith.addf %dot_general3A_22, %dot_general3A_32 : vector<1000x128xf32>
    %get3A_34 = arith.constant 0 : index
    %get3A_35 = arith.constant 0 : index
    %get3A_36 = vector.load %arg5[%get3A_34, %get3A_35] : memref<16x128xf32, #tpu.memory_space<vmem>>, vector<16x128xf32>
    %dot_general3A_37 = arith.constant dense<0.000000e+00> : vector<1000x128xf32>
    %dot_general3A_38 = tpu.matmul %add3A, %get3A_36, %dot_general3A_37 {dimension_numbers = #tpu.dot_dimension_numbers<[1], [0], [0], [1], [0, 0, 1, 1], [], []>, transpose_lhs_hint = false} : vector<1000x16xf32>, vector<16x128xf32>, vector<1000x128xf32> -> vector<1000x128xf32>
    %add3A_39 = arith.addf %add3A_33, %dot_general3A_38 : vector<1000x128xf32>
    %max3A = arith.constant 1.000000e+00 : f32
    %max3A_40 = vector.broadcast %max3A : f32 to vector<1000x1xf32>
    %max3A_41 = arith.maximumf %get3A_3, %max3A_40 : vector<1000x1xf32>
    %div3A = vector.broadcast %max3A_41 : vector<1000x1xf32> to vector<1000x128xf32>
    %div3A_42 = arith.divf %add3A_39, %div3A : vector<1000x128xf32>
    %get3A_43 = arith.constant 0 : index
    %get3A_44 = arith.constant 0 : index
    %get3A_45 = vector.load %arg1[%get3A_43, %get3A_44] : memref<1000x128xf32, #tpu.memory_space<vmem>>, vector<1000x128xf32>
    %get3A_46 = arith.constant 0 : index
    %get3A_47 = arith.constant 0 : index
    %get3A_48 = vector.load %arg6[%get3A_46, %get3A_47] : memref<128x128xf32, #tpu.memory_space<vmem>>, vector<128x128xf32>
    %dot_general3A_49 = arith.constant dense<0.000000e+00> : vector<1000x128xf32>
    %dot_general3A_50 = tpu.matmul %get3A_45, %get3A_48, %dot_general3A_49 {dimension_numbers = #tpu.dot_dimension_numbers<[1], [0], [0], [1], [0, 0, 1, 1], [], []>, transpose_lhs_hint = false} : vector<1000x128xf32>, vector<128x128xf32>, vector<1000x128xf32> -> vector<1000x128xf32>
    %add3A_51 = arith.addf %dot_general3A_50, %div3A_42 : vector<1000x128xf32>
    %get3A_52 = arith.constant 0 : index
    %get3A_53 = arith.constant 0 : index
    %get3A_54 = vector.load %arg7[%get3A_52, %get3A_53] : memref<1x128xf32, #tpu.memory_space<vmem>>, vector<1x128xf32>
    %add3A_55 = vector.broadcast %get3A_54 : vector<1x128xf32> to vector<1000x128xf32>
    %add3A_56 = arith.addf %add3A_51, %add3A_55 : vector<1000x128xf32>
    %max3A_57 = arith.constant 0.000000e+00 : f32
    %max3A_58 = vector.broadcast %max3A_57 : f32 to vector<1000x128xf32>
    %max3A_59 = arith.maximumf %add3A_56, %max3A_58 : vector<1000x128xf32>
    %swap3A = arith.constant 0 : index
    %swap3A_60 = arith.constant 0 : index
    %swap3A_61 = vector.load %arg8[%swap3A, %swap3A_60] : memref<1000x128xf32, #tpu.memory_space<vmem>>, vector<1000x128xf32>
    tpu.vector_store %arg8[%swap3A, %swap3A_60], %max3A_59 {strides = array<i32>} : memref<1000x128xf32, #tpu.memory_space<vmem>>, vector<1000x128xf32>,
    return
  }
  func.func @transform_0(%arg0: i32) -> (i32, i32) {
    %c0_i32 = arith.constant 0 : i32
    %c0_i32_0 = arith.constant 0 : i32
    return %arg0, %c0_i32 : i32, i32
  }
  func.func @transform_1(%arg0: i32) -> (i32, i32, i32) {
    %c0_i32 = arith.constant 0 : i32
    %c0_i32_0 = arith.constant 0 : i32
    %c0_i32_1 = arith.constant 0 : i32
    return %c0_i32, %arg0, %c0_i32_0 : i32, i32, i32
  }
  func.func @transform_2(%arg0: i32) -> (i32, i32, i32) {
    %c0_i32 = arith.constant 0 : i32
    %c0_i32_0 = arith.constant 0 : i32
    %c0_i32_1 = arith.constant 0 : i32
    return %c0_i32, %arg0, %c0_i32_0 : i32, i32, i32
  }
  func.func @transform_3(%arg0: i32) -> (i32, i32) {
    %c0_i32 = arith.constant 0 : i32
    %c0_i32_0 = arith.constant 0 : i32
    %c0_i32_1 = arith.constant 0 : i32
    return %c0_i32, %c0_i32_0 : i32, i32
  }
  func.func @transform_4(%arg0: i32) -> (i32, i32) {
    %c0_i32 = arith.constant 0 : i32
    %c0_i32_0 = arith.constant 0 : i32
    %c0_i32_1 = arith.constant 0 : i32
    return %c0_i32, %c0_i32_0 : i32, i32
  }
  func.func @transform_5(%arg0: i32) -> (i32, i32) {
    %c0_i32 = arith.constant 0 : i32
    %c0_i32_0 = arith.constant 0 : i32
    %c0_i32_1 = arith.constant 0 : i32
    return %c0_i32, %c0_i32_0 : i32, i32
  }
  func.func @transform_6(%arg0: i32) -> (i32, i32) {
    %c0_i32 = arith.constant 0 : i32
    %c0_i32_0 = arith.constant 0 : i32
    %c0_i32_1 = arith.constant 0 : i32
    return %c0_i32, %c0_i32_0 : i32, i32
  }
  func.func @transform_7(%arg0: i32) -> (i32, i32) {
    %c0_i32 = arith.constant 0 : i32
    %c0_i32_0 = arith.constant 0 : i32
    return %arg0, %c0_i32 : i32, i32
  }
}

</mosaic_0001>

<sc_bundles>
// kernel: kernel.4.cloned.1.call-start
scs
__scs_entry_jumppad:
0x0: {  	(pc) =	sbr.rel $0x88, $3  }
0x1: {  	(tag) =	ssettag $0x0;
	lr =	simm.s32 $0x1  }
0x2: {  	[smem:$0x3F9A] =	sst lr;
	_ =	strace $0xD0000000  }
0x3: {  	_ = 	snop  }
0x4: {  	_ = 	snop  }
0x5: {  	_ = 	snop  }
0x6: {  	_ = 	snop  }
0x7: {  	_ = 	snop  }
__scs_overlays_trampoline_lowered:
0x8: {  	[smem:$0x3FA9] =	sst s0  }
0x9: {  	[smem:$0x3FAA] =	sst s1  }
0xa: {  	[smem:$0x3FAB] =	sst s2  }
0xb: {  	[smem:$0x3FAC] =	sst s3  }
0xc: {  	[smem:$0x3FAD] =	sst s4  }
0xd: {  	[smem:$0x3FAE] =	sst s5  }
0xe: {  	[smem:$0x3FAF] =	sst s6  }
0xf: {  	[smem:$0x3FB0] =	sst s7  }
0x10: {  	[smem:$0x3FB1] =	sst s8  }
0x11: {  	[smem:$0x3FB2] =	sst s9;
	s0 =	simm.s32 @!p0 $0x0  }
0x12: {  	s1 =	sld [smem:$0x3F98];
	s0 =	simm.s32 @p0 $0x1  }
0x13: {  	[smem:$0x3FB3] =	sst s0;
	s0 =	simm.s32 @!p1 $0x0  }
0x14: {  	s2 =	sld [smem:$0x3F97];
	s0 =	simm.s32 @p1 $0x1  }
0x15: {  	[smem:$0x3FB4] =	sst s0;
	s0 =	simm.s32 @!p2 $0x0  }
0x16: {  	s3 =	sld [smem:$0x3FDB];
	s0 =	simm.s32 @p2 $0x1  }
0x17: {  	s4 =	simm.s32 $0x1BF5;
	[smem:$0x3FB6] =	sst s0  }
0x18: {  	s0 =	sld [smem:$0x3F99];
	_ =	swait.ge [sflag:s4], $0x0  }
0x19: {  	s7 =	sld [smem:$0x3F9A]  }
0x1a: {  	s8 =	sadd.s32 $0xFFFFE003, lr  }
0x1b: {  	s9 =	sadd.s32 $0xFFFFFEF7, lr;
	s5 =	simm.s32 $0xFFFFFFFF;
	p2 =	slt.u32 s8, $0xFFFFF086  }
0x1c: {  	p1 =	slt.u32 s9, $0xF7A;
	s5 =	simm.s32 @!p2 $0x0  }
0x1d: {  	s5 =	simm.s32 @p1 $0x1;
	p0 =	seq.s32 s7, s2  }
0x1e: {  	s7 =	smul.u32 @!p0 $0xF7A, s2;
	p2 =	seq.s32 @!p0 s5, $0x0  }
0x1f: {  	s9 =	smul.u32 $0xF7A, s1;
	s8 =	simm.s32 @!p0 $0x1BF5;
	p2 =	por !p2, p0  }
0x20: {  	[sflag:s8] =	ssyncset.s32 @!p0 $0xFFFFF086;
	s6 =	sadd.s32 @!p0 s3, s7;
	s7 =	simm.s32 @!p0 $0x108  }
0x21: {  	s3 =	sadd.s32 s3, s9;
	s6 =	sadd.s32 @!p0 $0x88, s6;
	s7 =	simm.s32 @p2 $0x1082  }
0x22: {  	[simem:s7], [sflag:s8] =	dma.local @!p0 [hbm:s6], $0xF7A  }
0x23: {  	s9 =	sor.u32 $0xD0000000, s2;
	s6 =	simm.s32 $0x108;
	_ =	swait.ge @!p0 [sflag:s8], $0x0  }
0x24: {  	s3 =	sadd.s32 $0x88, s3;
	s6 =	simm.s32 @!p1 $0x1082;
	[sflag:s4] =	ssyncset.s32 $0xFFFFF086  }
0x25: {  	[simem:s6], [sflag:s4] =	dma.local [hbm:s3], $0xF7A  }
0x26: {  	[smem:$0x3F9A] =	sst s1;
	(tag) =	ssettag s2;
	_ =	strace s9  }
0x27: {  	s1 =	sld [smem:$0x3FAA]  }
0x28: {  	s2 =	sld [smem:$0x3FAB]  }
0x29: {  	s4 =	sld [smem:$0x3FAD]  }
0x2a: {  	p0 =	seq.s32 s5, $0x0;
	s5 =	sld [smem:$0x3FAE]  }
0x2b: {  	s6 =	sld [smem:$0x3FAF]  }
0x2c: {  	s7 =	sld [smem:$0x3FB0]  }
0x2d: {  	s3 =	simm.s32 $0x108;
	s8 =	sld [smem:$0x3FB1]  }
0x2e: {  	s3 =	simm.s32 @!p0 $0x1082;
	s9 =	sld [smem:$0x3FB2]  }
0x2f: {  	lr =	sadd.s32 s0, s3;
	s0 =	sld [smem:$0x3FA9]  }
0x30: {  	s3 =	sld [smem:$0x3FAC]  }
0x31: {  	[smem:$0x3FB5] =	sst s10  }
0x32: {  	s10 =	sld [smem:$0x3FB3];
	_ =	sdelay $0x3  }
0x33: {  	p0 =	seq.s32 s10, $0x1;
	s10 =	sld [smem:$0x3FB5];
	_ =	sdelay $0x3  }
0x34: {  	[smem:$0x3FB5] =	sst s10  }
0x35: {  	s10 =	sld [smem:$0x3FB4];
	_ =	sdelay $0x3  }
0x36: {  	p1 =	seq.s32 s10, $0x1;
	s10 =	sld [smem:$0x3FB5];
	_ =	sdelay $0x3  }
0x37: {  	[smem:$0x3FB5] =	sst s10  }
0x38: {  	s10 =	sld [smem:$0x3FB6]  }
0x39: {  	_ = 	snop;
	(pc) =	sbr.ind lr, $3  }
0x3a: {  	_ = 	snop  }
0x3b: {  	_ = 	snop  }
0x3c: {  	p2 =	seq.s32 s10, $0x1;
	s10 =	sld [smem:$0x3FB5]  }
0x3d: {  	_ =	shalt  }
0x3e: {  	_ =	shalt  }
0x3f: {  	_ =	shalt  }
0x40: {  	_ =	shalt  }
0x41: {  	_ =	shalt  }
0x42: {  	_ =	shalt  }
0x43: {  	_ =	shalt  }
0x44: {  	_ =	shalt  }
0x45: {  	_ =	shalt  }
0x46: {  	_ =	shalt  }
0x47: {  	_ =	shalt  }
0x48: {  	_ =	shalt  }
0x49: {  	_ =	shalt  }
0x4a: {  	_ =	shalt  }
0x4b: {  	_ =	shalt  }
0x4c: {  	_ =	shalt  }
0x4d: {  	_ =	shalt  }
0x4e: {  	_ =	shalt  }
0x4f: {  	_ =	shalt  }
0x50: {  	_ =	shalt  }
0x51: {  	_ =	shalt  }
0x52: {  	_ =	shalt  }
0x53: {  	_ =	shalt  }
0x54: {  	_ =	shalt  }
0x55: {  	_ =	shalt  }
0x56: {  	_ =	shalt  }
0x57: {  	_ =	shalt  }
0x58: {  	_ =	shalt  }
0x59: {  	_ =	shalt  }
0x5a: {  	_ =	shalt  }
0x5b: {  	_ =	shalt  }
0x5c: {  	_ =	shalt  }
0x5d: {  	_ =	shalt  }
0x5e: {  	_ =	shalt  }
0x5f: {  	_ =	shalt  }
0x60: {  	_ =	shalt  }
0x61: {  	_ =	shalt  }
0x62: {  	_ =	shalt  }
0x63: {  	_ =	shalt  }
0x64: {  	_ =	shalt  }
0x65: {  	_ =	shalt  }
0x66: {  	_ =	shalt  }
0x67: {  	_ =	shalt  }
0x68: {  	_ =	shalt  }
0x69: {  	_ =	shalt  }
0x6a: {  	_ =	shalt  }
0x6b: {  	_ =	shalt  }
0x6c: {  	_ =	shalt  }
0x6d: {  	_ =	shalt  }
0x6e: {  	_ =	shalt  }
0x6f: {  	_ =	shalt  }
0x70: {  	_ =	shalt  }
0x71: {  	_ =	shalt  }
0x72: {  	_ =	shalt  }
0x73: {  	_ =	shalt  }
0x74: {  	_ =	shalt  }
0x75: {  	_ =	shalt  }
0x76: {  	_ =	shalt  }
0x77: {  	_ =	shalt  }
0x78: {  	_ =	shalt  }
0x79: {  	_ =	shalt  }
0x7a: {  	_ =	shalt  }
0x7b: {  	_ =	shalt  }
0x7c: {  	_ =	shalt  }
0x7d: {  	_ =	shalt  }
0x7e: {  	_ =	shalt  }
0x7f: {  	_ =	shalt  }
0x80: {  	_ =	shalt  }
0x81: {  	_ =	shalt  }
0x82: {  	_ =	shalt  }
0x83: {  	_ =	shalt  }
0x84: {  	_ =	shalt  }
0x85: {  	_ =	shalt  }
0x86: {  	_ =	shalt  }
0x87: {  	_ =	shalt  }
.Lfunc_end0:
.L_simem_size_0:
called_computation_lowered:
.L_overlay_start_0:
0x88: {  	s2 =	sld [smem:$0x3FD9]  }
0x89: {  	s3 =	sld [smem:$0x3FFE];
	_ =	sdelay $0x1  }
0x8a: {  	s1 =	srdreg.scid  }
0x8b: {  	s0 =	sand.u32 $0x1, s1  }
0x8c: {  	s17 =	sshll.u32 s0, $0xA;
	s2 =	sadd.s32 s3, s2  }
0x8d: {  	s2 =	sadd.s32 s2, s17  }
0x8e: {  	[smem:$0x3FC1] =	sst s2  }
0x8f: {  	_ = 	snop  }
0x90: {  	s2 =	sld [smem:$0x3FD0];
	(tm) =	ssettm $0x1  }
0x91: {  	s18 =	sld [smem:$0x3FFB];
	_ =	sdelay $0x3  }
0x92: {  	_ =	strace s18  }
0x93: {  	s3 =	sld [smem:$0x3FFC];
	_ =	sdelay $0x3  }
0x94: {  	_ =	strace s3  }
0x95: {  	s3 =	sld [smem:$0x3FFD];
	_ =	sdelay $0x3  }
0x96: {  	_ =	strace s3  }
0x97: {  	_ =	strace $0x8FFFFFFF  }
0x98: {  	s19 =	sld [smem:$0x3FDB];
	_ =	sdelay $0x1  }
0x99: {  	s4 =	simm.s32 $_scs_section_size  }
0x9a: {  	s5 =	simm.s32 $_size__tile_overlayer_lowered;
	s6 =	simm.s32 $_tile_overlayer_lowered  }
0x9b: {  	s22 =	simm.s32 $0x1BFF;
	s21 =	sshll.u32 s6, $0x1;
	s3 =	sadd.s32 s4, s19  }
0x9c: {  	s7 =	simm.s32 $0x0;
	s20 =	sshll.u32 s5, $0x1;
	s5 =	sadd.s32 s21, s3  }
0x9d: {  	[timem:s7], [sflag:s22] =	dma.local [hbm:s5], s20  }
0x9e: {  	_ =	swait.ge [sflag:s22], s20  }
0x9f: {  	s4 =	ssub.s32 $0x0, s20;
	[sflag:s22] =	ssyncset.done $0x0  }
0xa0: {  	[sflag:s22] =	ssyncadd.s32 s4;
	_ =	sdelay $0x1  }
0xa1: {  	s23 =	simm.s32 $0x1B8B  }
0xa2: {  	_ =	swait.ge [sflag:s23], $0x1  }
0xa3: {  	[sflag:s23] =	ssyncset.done $0x0  }
0xa4: {  	s25 =	simm.s32 $0x1B8E;
	s24 =	sld [smem:$0x3FFE];
	[sflag:s23] =	ssyncadd.s32 $0xFFFFFFFF  }
0xa5: {  	s26 =	simm.s32 $execute0_lowered;
	[smem:$0x3FD2] =	sst s25  }
0xa6: {  	s5 =	sshll.u32 s26, $0x1;
	_ =	strace $0x80000046;
	[dreg:$0x1] =	wrdreg $0xFFFFFFFF  }
0xa7: {  	s28 =	simm.s32 $_size_execute0_lowered;
	s3 =	sadd.s32 s3, s5;
	[dreg:$0x0] =	wrdreg $0x0  }
0xa8: {  	s5 =	sshll.u32 s28, $0x1;
	[dreg:$0x2] =	wrdreg s3  }
0xa9: {  	[dreg:$0x3] =	wrdreg s5  }
0xaa: {  	[dreg:$0x4] =	wrdreg $0xC0  }
0xab: {  	_ =	task [dreg:s7], $0x5FFFF  }
0xac: {  	[dreg:$0x1] =	wrdreg $0xFFFFFFFF  }
0xad: {  	[dreg:$0x0] =	wrdreg $0x60  }
0xae: {  	[dreg:$0x2] =	wrdreg s24  }
0xaf: {  	[dreg:$0x3] =	wrdreg s2  }
0xb0: {  	[dreg:$0x4] =	wrdreg $0x9C400  }
0xb1: {  	[dreg:$0x5] =	wrdreg $0x164400  }
0xb2: {  	[dreg:$0x6] =	wrdreg $0x9  }
0xb3: {  	_ =	task.clear_ibuf [dreg:s7], $0x7FFFF;
	_ =	strace $0x90000046  }
0xb4: {  	s29 =	simm.s32 $0x9;
	_ =	strace $0x80000048  }
0xb5: {  	_ =	swait.ge [sflag:s29], $0x1  }
0xb6: {  	[sflag:s29] =	ssyncadd.s32 $0xFFFFFFFF  }
0xb7: {  	_ =	strace $0x90000048  }
0xb8: {  	_ =	sfence  }
0xb9: {  	s30 =	sld [smem:$0x0];
	_ =	sdelay $0x2  }
0xba: {  	s31 =	sshll.u32 s1, $0xD;
	s1 =	sshrl.u32 s1, $0x2  }
0xbb: {  	s3 =	sand.u32 $0x4000, s31;
	s1 =	sadd.s32 s1, s30  }
0xbc: {  	s0 =	sor.u32 s3, s0;
	s1 =	sshll.u32 s1, $0x11  }
0xbd: {  	s0 =	sor.u32 s1, s0  }
0xbe: {  	s0 =	sadd.s32 $0x8F2B, s0  }
0xbf: {  	[sflag:s0] =	ssyncadd.remote.s32 $0x1  }
0xc0: {  	_ =	sfence.sel $0xFFFF  }
0xc1: {  	[dreg:$0x0] =	wrdreg $0xFFFFFFFF;
	(pc) =	sbr.abs _section_cstart, $3  }
0xc2: {  	[dreg:$0x1] =	wrdreg $0xFFFFFFFF  }
0xc3: {  	_ =	task.clear_ibuf [dreg:s7], $0x2FFFF;
	_ =	strace $0x9FFFFFFF  }
0xc4: {  	(tm) =	ssettm $0x7FFFFFFF  }
0xc5: {  	_ =	shalt  }
tec
execute0_lowered:
.L_overlay_start_1:
0x0: {  	(tag) =	ssettag $0x1  }
0x1: {  	s0 =	rddreg [dreg:$0x0]  }
0x2: {  	s1 =	rddreg [dreg:$0x1]  }
0x3: {  	s2 =	rddreg [dreg:$0x2]  }
0x4: {  	s16 =	stileid.u32;
	s3 =	rddreg [dreg:$0x3]  }
0x5: {  	s4 =	simm.s32 $0x0;
	s5 =	srdreg.scid;
	s18 =	simm.s32 $0x320  }
0x6: {  	s28 =	simm.s32 $0x5140;
	s29 =	simm.s32 $0x2;
	s6 =	smul.u32 $0x9C4, s16  }
0x7: {  	s30 =	simm.s32 $0x3;
	s17 =	simm.s32 $0x5A0;
	s7 =	smul.u32 $0x9C40, s16  }
0x8: {  	s8 =	smul.u32 $0x2800, s16;
	[smem:$0x7FF] =	sst s4;
	s9 =	sand.u32 $0x1, s5  }
0x9: {  	s10 =	smul.u32 $0xC800, s16;
	s5 =	sadd.s32 $0x2A00, s0;
	s22 =	sshll.u32 s16, $0x6  }
0xa: {  	s16 =	simm.s32 $0x5;
	_ =	strace $0x80000047;
	s11 =	smul.u32 $0xC8000, s9  }
0xb: {  	s13 =	smul.u32 $0x28000, s9;
	s14 =	ssub.s32 $0x2, s9;
	p0 =	seq.s32 s9, $0x0  }
0xc: {  	p1 =	sne.s32 s9, $0x0;
	s12 =	sshrl.u32 s8, $0x3;
	s6 =	sadd.s32 s6, s0  }
0xd: {  	s7 =	sadd.s32 s7, s0;
	s15 =	sshrl.u32 s14, $0x1;
	s21 =	sadd.s32 s10, s2  }
0xe: {  	s23 =	sadd.s32 s8, s3;
	s12 =	sadd.s32 s12, s0;
	s11 =	sadd.s32 s10, s11  }
0xf: {  	s13 =	sadd.s32 s8, s13;
	s20 =	ssub.s32 s14, s15;
	s10 =	sshrl.u32 s10, $0x3  }
0x10: {  	s31 =	sadd.s32 $0x529400, s7;
	s14 =	sadd.s32 $0x3D600, s6;
	s7 =	sshrl.u32 s21, $0x3  }
0x11: {  	s21 =	simm.s32 $0x640;
	s15 =	simm.s32 $0x500;
	s8 =	simm.s32 $0x0  }
0x12: {  	s11 =	sshrl.u32 s11, $0x3;
	s13 =	sshrl.u32 s13, $0x3;
	[dreg:$0xb] =	wrdreg s31  }
0x13: {  	s1 =	sadd.s32 s1, s10;
	s10 =	sor.u32 $0x1C05, s22;
	[dreg:$0xc] =	wrdreg s7  }
0x14: {  	s24 =	sadd.s32 $0x47400, s12;
	s26 =	smax.u32 s20, $0x1;
	[dreg:$0x5] =	wrdreg s1  }
0x15: {  	s20 =	simm.s32 $0x50;
	s22 =	simm.s32 $0x1F40;
	[dreg:$0x7] =	wrdreg s24  }
.Ltmp0:
0x16: {  	s11 =	sadd.s32 s11, s0;
	[dreg:$0xa] =	wrdreg s26;
	(pc) =	sbr.rel .LBB2_1-.Ltmp0, $4  }
0x17: {  	s0 =	sadd.s32 s13, s0;
	s1 =	sshrl.u32 s23, $0x3;
	[dreg:$0x6] =	wrdreg s10  }
0x18: {  	s13 =	sadd.s32 $0x33800, s6;
	s25 =	sadd.s32 $0x56400, s11;
	[dreg:$0xd] =	wrdreg s1  }
0x19: {  	s23 =	simm.s32 $0x1;
	s0 =	sadd.s32 $0x4C400, s0;
	[dreg:$0x8] =	wrdreg s25  }
0x1a: {  	s6 =	simm.s32 $0x4;
	[dreg:$0x9] =	wrdreg s0;
	s25 =	simm.s32 $0x3840  }
.LBB2_5:
0x1b: {  	[bflag:$0x0] =	sbarrier.arrive $0xFFFF  }
0x1c: {  	s10 =	rddreg [dreg:$0x6]  }
0x1d: {  	s0 =	rddreg [dreg:$0x8]  }
0x1e: {  	s7 =	rddreg [dreg:$0xc]  }
0x1f: {  	[hbm:s0], [sflag:s10] =	dma.local [spmem:s7], $0x1900  }
0x20: {  	_ =	swait.ge [sflag:s16], $0x1900  }
0x21: {  	[sflag:s16] =	ssyncset.done $0x0;
	s26 =	rddreg [dreg:$0x9]  }
0x22: {  	s1 =	rddreg [dreg:$0xd];
	[sflag:s16] =	ssyncadd.s32 $0xFFFFE700  }
0x23: {  	[hbm:s26], [sflag:s10] =	dma.local [spmem:s1], $0x500  }
0x24: {  	_ =	swait.ge [sflag:s16], $0x500  }
0x25: {  	s8 =	rddreg [dreg:$0xe]  }
0x26: {  	s31 =	rddreg [dreg:$0xa];
	s8 =	sadd.s32 $0x1, s8  }
0x27: {  	p2 =	sne.s32 s8, s31  }
.Ltmp1:
0x28: {  	_ = 	snop;
	(pc) =	sbr.rel @!p2 .LBB2_6-.Ltmp1, $3  }
0x29: {  	_ =	sdelay $0x1  }
0x2a: {  	[sflag:s16] =	ssyncset.done $0x0  }
0x2b: {  	[sflag:s16] =	ssyncadd.s32 $0xFFFFFB00  }
.LBB2_1:
0x2c: {  	[dreg:$0xe] =	wrdreg s8  }
0x2d: {  	s0 =	rddreg [dreg:$0x5]  }
0x2e: {  	[spmem:s7], [sflag:s10] =	dma.local [hbm:s0], $0x1900  }
0x2f: {  	_ =	swait.ge [sflag:s16], $0x1900  }
0x30: {  	[sflag:s16] =	ssyncset.done $0x0  }
0x31: {  	s31 =	rddreg [dreg:$0x7];
	[sflag:s16] =	ssyncadd.s32 $0xFFFFE700  }
0x32: {  	[spmem:s1], [sflag:s10] =	dma.local [hbm:s31], $0x500  }
.Ltmp2:
0x33: {  	_ =	swait.ge [sflag:s16], $0x500;
	(pc) =	sbr.rel .LBB2_2-.Ltmp2, $4  }
0x34: {  	[sflag:s16] =	ssyncset.done $0x0  }
0x35: {  	[sflag:s16] =	ssyncadd.s32 $0xFFFFFB00  }
0x36: {  	[bflag:$0x0] =	sbarrier.arrive $0xFFFF  }
0x37: {  	s19 =	simm.s32 $0x0;
	s7 =	rddreg [dreg:$0xb]  }
.LBB2_4:
0x38: {  	[tilespmem:s21], [sflag:$0x1] =	stream.indirect.gather [hbm4b:s5+s20], $0x50, s4, s20, $0xb8;
	[tilespmem:$0x18C40] =	vst v63  }
0x39: {  	_ = 	snop  }
0x3a: {  	[tilespmem:s22], [sflag:$0x1] =	stream.indirect.gather [hbm4b:s5+s20], $0x50, s20, s20, $0xb8;
	[tilespmem:$0x18C40] =	vst v63  }
0x3b: {  	_ =	swait.ge [sflag:s23], $0x1900  }
0x3c: {  	[sflag:s23] =	ssyncset.done $0x0  }
0x3d: {  	[sflag:s23] =	ssyncadd.s32 $0xFFFFE700  }
0x3e: {  	_ =	swait.ge [sflag:s23], $0x1900  }
0x3f: {  	[sflag:s23] =	ssyncset.done $0x0  }
0x40: {  	s0 =	simm.s32 $0xA0;
	[sflag:s23] =	ssyncadd.s32 $0xFFFFE700  }
0x41: {  	[tilespmem:s25], [sflag:$0x2] =	stream.indirect.gather [hbm4b:s5+s20], $0x50, s0, s20, $0xb8;
	[tilespmem:$0x18C40] =	vst v63  }
0x42: {  	s11 =	simm.s32 $0xF0  }
0x43: {  	[tilespmem:s28], [sflag:$0x2] =	stream.indirect.gather [hbm4b:s5+s20], $0x50, s11, s20, $0xb8;
	[tilespmem:$0x18C40] =	vst v63  }
0x44: {  	_ = 	snop  }
0x45: {  	[spmem:s2] =	stream.indirect.scatter.add.f32 [tilespmem:s21], [sflag:$0x3], $0x50, s18, s20, $0xb8;
	[tilespmem:$0x18C40] =	vst v63  }
0x46: {  	s26 =	simm.s32 @p1 $0x50;
	s1 =	simm.s32 @p1 $0x1F40;
	s0 =	simm.s32 @p1 $0x370  }
0x47: {  	[spmem:s2] =	stream.indirect.scatter.add.f32 @p1 [tilespmem:s1], [sflag:$0x3], $0x50, s0, s26, $0xb8;
	[tilespmem:$0x18C40] =	vst v63  }
0x48: {  	s8 =	simm.s32 @p1 $0x6F40;
	s31 =	simm.s32 @p1 $0x5  }
0x49: {  	[spmem:s3] =	stream.indirect.scatter.add.f32 @p1 [tilespmem:s8], [sflag:$0x5], $0x10, s0, s26, $0xb8;
	[tilespmem:$0x18C40] =	vst v63  }
0x4a: {  	_ =	swait.ge @p1 [sflag:s31], $0x500  }
0x4b: {  	s24 =	simm.s32 @!p1 $0x50;
	[sflag:s31] =	ssyncset.done @p1 $0x0  }
0x4c: {  	s0 =	simm.s32 @!p1 $0x320;
	s8 =	simm.s32 @!p1 $0x6A40;
	[sflag:s31] =	ssyncadd.s32 @p1 $0xFFFFFB00  }
0x4d: {  	[spmem:s3] =	stream.indirect.scatter.add.f32 @!p1 [tilespmem:s8], [sflag:$0x5], $0x10, s0, s24, $0xb8;
	[tilespmem:$0x18C40] =	vst v63  }
0x4e: {  	s0 =	simm.s32 @!p1 $0x5  }
0x4f: {  	_ =	swait.ge @!p1 [sflag:s0], $0x500  }
0x50: {  	[sflag:s0] =	ssyncset.done @!p1 $0x0  }
0x51: {  	s9 =	simm.s32 @!p1 $0x370;
	s8 =	simm.s32 @!p1 $0x1F40;
	[sflag:s0] =	ssyncadd.s32 @!p1 $0xFFFFFB00  }
0x52: {  	[spmem:s2] =	stream.indirect.scatter.add.f32 @!p1 [tilespmem:s8], [sflag:$0x3], $0x50, s9, s24, $0xb8;
	[tilespmem:$0x18C40] =	vst v63  }
0x53: {  	_ =	swait.ge [sflag:s29], $0x1900  }
0x54: {  	[sflag:s29] =	ssyncset.done $0x0  }
0x55: {  	[sflag:s29] =	ssyncadd.s32 $0xFFFFE700  }
0x56: {  	_ =	swait.ge [sflag:s29], $0x1900  }
0x57: {  	[sflag:s29] =	ssyncset.done $0x0  }
0x58: {  	[sflag:s29] =	ssyncadd.s32 $0xFFFFE700  }
0x59: {  	_ =	swait.ge [sflag:s30], $0x1900  }
0x5a: {  	[sflag:s30] =	ssyncset.done $0x0  }
0x5b: {  	[sflag:s30] =	ssyncadd.s32 $0xFFFFE700  }
0x5c: {  	_ =	swait.ge [sflag:s30], $0x1900  }
0x5d: {  	[sflag:s30] =	ssyncset.done $0x0  }
0x5e: {  	s12 =	simm.s32 $0x140;
	[sflag:s30] =	ssyncadd.s32 $0xFFFFE700  }
0x5f: {  	[tilespmem:s21], [sflag:$0x1] =	stream.indirect.gather [hbm4b:s5+s20], $0x50, s12, s20, $0xb8;
	[tilespmem:$0x18C40] =	vst v63  }
0x60: {  	s10 =	simm.s32 $0x190  }
0x61: {  	[tilespmem:s22], [sflag:$0x1] =	stream.indirect.gather [hbm4b:s5+s20], $0x50, s10, s20, $0xb8;
	[tilespmem:$0x18C40] =	vst v63  }
0x62: {  	s11 =	simm.s32 $0x3C0  }
0x63: {  	[spmem:s2] =	stream.indirect.scatter.add.f32 [tilespmem:s25], [sflag:$0x4], $0x50, s11, s20, $0xb8;
	[tilespmem:$0x18C40] =	vst v63  }
0x64: {  	s9 =	simm.s32 @p1 $0x410;
	s10 =	simm.s32 @p1 $0x5140  }
0x65: {  	[spmem:s2] =	stream.indirect.scatter.add.f32 @p1 [tilespmem:s10], [sflag:$0x4], $0x50, s9, s26, $0xb8;
	[tilespmem:$0x18C40] =	vst v63  }
0x66: {  	s11 =	simm.s32 @p1 $0x7940  }
0x67: {  	[spmem:s3] =	stream.indirect.scatter.add.f32 @p1 [tilespmem:s11], [sflag:$0x5], $0x10, s9, s26, $0xb8;
	[tilespmem:$0x18C40] =	vst v63  }
0x68: {  	_ =	swait.ge @p1 [sflag:s31], $0x500  }
0x69: {  	[sflag:s31] =	ssyncset.done @p1 $0x0  }
0x6a: {  	s9 =	simm.s32 @!p1 $0x3C0;
	s11 =	simm.s32 @!p1 $0x7440;
	[sflag:s31] =	ssyncadd.s32 @p1 $0xFFFFFB00  }
0x6b: {  	[spmem:s3] =	stream.indirect.scatter.add.f32 @!p1 [tilespmem:s11], [sflag:$0x5], $0x10, s9, s24, $0xb8;
	[tilespmem:$0x18C40] =	vst v63  }
0x6c: {  	_ =	swait.ge @!p1 [sflag:s0], $0x500  }
0x6d: {  	[sflag:s0] =	ssyncset.done @!p1 $0x0  }
0x6e: {  	s9 =	simm.s32 @!p1 $0x410;
	s11 =	simm.s32 @!p1 $0x5140;
	[sflag:s0] =	ssyncadd.s32 @!p1 $0xFFFFFB00  }
0x6f: {  	[spmem:s2] =	stream.indirect.scatter.add.f32 @!p1 [tilespmem:s11], [sflag:$0x4], $0x50, s9, s24, $0xb8;
	[tilespmem:$0x18C40] =	vst v63  }
0x70: {  	_ =	swait.ge [sflag:s23], $0x1900  }
0x71: {  	[sflag:s23] =	ssyncset.done $0x0  }
0x72: {  	[sflag:s23] =	ssyncadd.s32 $0xFFFFE700  }
0x73: {  	_ =	swait.ge [sflag:s23], $0x1900  }
0x74: {  	[sflag:s23] =	ssyncset.done $0x0  }
0x75: {  	[sflag:s23] =	ssyncadd.s32 $0xFFFFE700  }
0x76: {  	_ =	swait.ge [sflag:s6], $0x1900  }
0x77: {  	[sflag:s6] =	ssyncset.done $0x0  }
0x78: {  	[sflag:s6] =	ssyncadd.s32 $0xFFFFE700  }
0x79: {  	_ =	swait.ge [sflag:s6], $0x1900  }
0x7a: {  	[sflag:s6] =	ssyncset.done $0x0  }
0x7b: {  	s12 =	simm.s32 $0x1E0;
	[sflag:s6] =	ssyncadd.s32 $0xFFFFE700  }
0x7c: {  	[tilespmem:s25], [sflag:$0x2] =	stream.indirect.gather [hbm4b:s5+s20], $0x50, s12, s20, $0xb8;
	[tilespmem:$0x18C40] =	vst v63  }
0x7d: {  	s12 =	simm.s32 $0x230  }
0x7e: {  	[tilespmem:s28], [sflag:$0x2] =	stream.indirect.gather [hbm4b:s5+s20], $0x50, s12, s20, $0xb8;
	[tilespmem:$0x18C40] =	vst v63  }
0x7f: {  	s12 =	simm.s32 $0x460  }
0x80: {  	[spmem:s2] =	stream.indirect.scatter.add.f32 [tilespmem:s21], [sflag:$0x3], $0x50, s12, s20, $0xb8;
	[tilespmem:$0x18C40] =	vst v63  }
0x81: {  	s9 =	simm.s32 @p1 $0x4B0  }
0x82: {  	[spmem:s2] =	stream.indirect.scatter.add.f32 @p1 [tilespmem:s1], [sflag:$0x3], $0x50, s9, s26, $0xb8;
	[tilespmem:$0x18C40] =	vst v63  }
0x83: {  	s12 =	simm.s32 @p1 $0x8340  }
0x84: {  	[spmem:s3] =	stream.indirect.scatter.add.f32 @p1 [tilespmem:s12], [sflag:$0x5], $0x10, s9, s26, $0xb8;
	[tilespmem:$0x18C40] =	vst v63  }
0x85: {  	_ =	swait.ge @p1 [sflag:s31], $0x500  }
0x86: {  	[sflag:s31] =	ssyncset.done @p1 $0x0  }
0x87: {  	s9 =	simm.s32 @!p1 $0x460;
	s12 =	simm.s32 @!p1 $0x7E40;
	[sflag:s31] =	ssyncadd.s32 @p1 $0xFFFFFB00  }
0x88: {  	[spmem:s3] =	stream.indirect.scatter.add.f32 @!p1 [tilespmem:s12], [sflag:$0x5], $0x10, s9, s24, $0xb8;
	[tilespmem:$0x18C40] =	vst v63  }
0x89: {  	_ =	swait.ge @!p1 [sflag:s0], $0x500  }
0x8a: {  	[sflag:s0] =	ssyncset.done @!p1 $0x0  }
0x8b: {  	s9 =	simm.s32 @!p1 $0x4B0;
	[sflag:s0] =	ssyncadd.s32 @!p1 $0xFFFFFB00  }
0x8c: {  	[spmem:s2] =	stream.indirect.scatter.add.f32 @!p1 [tilespmem:s8], [sflag:$0x3], $0x50, s9, s24, $0xb8;
	[tilespmem:$0x18C40] =	vst v63  }
0x8d: {  	_ =	swait.ge [sflag:s29], $0x1900  }
0x8e: {  	[sflag:s29] =	ssyncset.done $0x0  }
0x8f: {  	[sflag:s29] =	ssyncadd.s32 $0xFFFFE700  }
0x90: {  	_ =	swait.ge [sflag:s29], $0x1900  }
0x91: {  	[sflag:s29] =	ssyncset.done $0x0  }
0x92: {  	[sflag:s29] =	ssyncadd.s32 $0xFFFFE700  }
0x93: {  	_ =	swait.ge [sflag:s30], $0x1900  }
0x94: {  	[sflag:s30] =	ssyncset.done $0x0  }
0x95: {  	[sflag:s30] =	ssyncadd.s32 $0xFFFFE700  }
0x96: {  	_ =	swait.ge [sflag:s30], $0x1900  }
0x97: {  	[sflag:s30] =	ssyncset.done $0x0  }
0x98: {  	s12 =	simm.s32 $0x280;
	[sflag:s30] =	ssyncadd.s32 $0xFFFFE700  }
0x99: {  	[tilespmem:s21], [sflag:$0x1] =	stream.indirect.gather [hbm4b:s5+s20], $0x50, s12, s20, $0xb8;
	[tilespmem:$0x18C40] =	vst v63  }
0x9a: {  	s12 =	simm.s32 $0x2D0  }
0x9b: {  	[tilespmem:s22], [sflag:$0x1] =	stream.indirect.gather [hbm4b:s5+s20], $0x50, s12, s20, $0xb8;
	[tilespmem:$0x18C40] =	vst v63  }
0x9c: {  	_ = 	snop  }
0x9d: {  	[spmem:s2] =	stream.indirect.scatter.add.f32 [tilespmem:s25], [sflag:$0x4], $0x50, s15, s20, $0xb8;
	[tilespmem:$0x18C40] =	vst v63  }
0x9e: {  	s9 =	simm.s32 @p1 $0x550  }
0x9f: {  	[spmem:s2] =	stream.indirect.scatter.add.f32 @p1 [tilespmem:s10], [sflag:$0x4], $0x50, s9, s26, $0xb8;
	[tilespmem:$0x18C40] =	vst v63  }
0xa0: {  	s10 =	simm.s32 @p1 $0x8D40  }
0xa1: {  	[spmem:s3] =	stream.indirect.scatter.add.f32 @p1 [tilespmem:s10], [sflag:$0x5], $0x10, s9, s26, $0xb8;
	[tilespmem:$0x18C40] =	vst v63  }
0xa2: {  	_ =	swait.ge @p1 [sflag:s31], $0x500  }
0xa3: {  	[sflag:s31] =	ssyncset.done @p1 $0x0  }
0xa4: {  	s9 =	simm.s32 @!p1 $0x500;
	s10 =	simm.s32 @!p1 $0x8840;
	[sflag:s31] =	ssyncadd.s32 @p1 $0xFFFFFB00  }
0xa5: {  	[spmem:s3] =	stream.indirect.scatter.add.f32 @!p1 [tilespmem:s10], [sflag:$0x5], $0x10, s9, s24, $0xb8;
	[tilespmem:$0x18C40] =	vst v63  }
0xa6: {  	_ =	swait.ge @!p1 [sflag:s0], $0x500  }
0xa7: {  	[sflag:s0] =	ssyncset.done @!p1 $0x0  }
0xa8: {  	s9 =	simm.s32 @!p1 $0x550;
	[sflag:s0] =	ssyncadd.s32 @!p1 $0xFFFFFB00  }
0xa9: {  	[spmem:s2] =	stream.indirect.scatter.add.f32 @!p1 [tilespmem:s11], [sflag:$0x4], $0x50, s9, s24, $0xb8;
	[tilespmem:$0x18C40] =	vst v63  }
0xaa: {  	_ =	swait.ge [sflag:s23], $0x1900  }
0xab: {  	[sflag:s23] =	ssyncset.done $0x0  }
0xac: {  	[sflag:s23] =	ssyncadd.s32 $0xFFFFE700  }
0xad: {  	_ =	swait.ge [sflag:s23], $0x1900  }
0xae: {  	[sflag:s23] =	ssyncset.done $0x0  }
0xaf: {  	[sflag:s23] =	ssyncadd.s32 $0xFFFFE700  }
0xb0: {  	[spmem:s2] =	stream.indirect.scatter.add.f32 [tilespmem:s21], [sflag:$0x3], $0x50, s17, s20, $0xb8;
	[tilespmem:$0x18C40] =	vst v63  }
0xb1: {  	s9 =	simm.s32 @p1 $0x5F0  }
0xb2: {  	[spmem:s2] =	stream.indirect.scatter.add.f32 @p1 [tilespmem:s1], [sflag:$0x3], $0x50, s9, s26, $0xb8;
	[tilespmem:$0x18C40] =	vst v63  }
0xb3: {  	s1 =	simm.s32 @p1 $0x9740  }
0xb4: {  	[spmem:s3] =	stream.indirect.scatter.add.f32 @p1 [tilespmem:s1], [sflag:$0x5], $0x10, s9, s26, $0xb8;
	[tilespmem:$0x18C40] =	vst v63  }
0xb5: {  	_ =	swait.ge @p1 [sflag:s31], $0x500  }
0xb6: {  	[sflag:s31] =	ssyncset.done @p1 $0x0  }
0xb7: {  	s1 =	simm.s32 @!p1 $0x5A0;
	s9 =	simm.s32 @!p1 $0x9240;
	[sflag:s31] =	ssyncadd.s32 @p1 $0xFFFFFB00  }
0xb8: {  	[spmem:s3] =	stream.indirect.scatter.add.f32 @!p1 [tilespmem:s9], [sflag:$0x5], $0x10, s1, s24, $0xb8;
	[tilespmem:$0x18C40] =	vst v63  }
0xb9: {  	_ =	swait.ge @!p1 [sflag:s0], $0x500  }
0xba: {  	[sflag:s0] =	ssyncset.done @!p1 $0x0  }
0xbb: {  	[sflag:s0] =	ssyncadd.s32 @!p1 $0xFFFFFB00;
	s0 =	simm.s32 @!p1 $0x5F0  }
0xbc: {  	[spmem:s2] =	stream.indirect.scatter.add.f32 @!p1 [tilespmem:s8], [sflag:$0x3], $0x50, s0, s24, $0xb8;
	[tilespmem:$0x18C40] =	vst v63  }
0xbd: {  	_ =	swait.ge [sflag:s6], $0x1900  }
0xbe: {  	[sflag:s6] =	ssyncset.done $0x0  }
0xbf: {  	[sflag:s6] =	ssyncadd.s32 $0xFFFFE700  }
0xc0: {  	_ =	swait.ge [sflag:s6], $0x1900  }
0xc1: {  	[sflag:s6] =	ssyncset.done $0x0  }
0xc2: {  	s19 =	sadd.s32 $0x64, s19;
	[sflag:s6] =	ssyncadd.s32 $0xFFFFE700  }
0xc3: {  	p2 =	sne.s32 s19, $0x9C4;
	_ =	swait.ge [sflag:s30], $0x1900  }
.Ltmp3:
0xc4: {  	[sflag:s30] =	ssyncset.done $0x0;
	(pc) =	sbr.rel @!p2 .LBB2_5-.Ltmp3, $4  }
0xc5: {  	[sflag:s30] =	ssyncadd.s32 $0xFFFFE700  }
0xc6: {  	_ =	swait.ge [sflag:s30], $0x1900  }
0xc7: {  	[sflag:s30] =	ssyncset.done $0x0  }
0xc8: {  	s7 =	sadd.s32 $0x640, s7;
	[sflag:s30] =	ssyncadd.s32 $0xFFFFE700  }
.LBB2_2:
0xc9: {  	s0 =	sadd.s32 s19, s14  }
0xca: {  	[tilespmem:s4], [sflag:$0x5] =	stream.linear.gather [hbm4b:s0+s4], $0x320, $0x38;
	[tilespmem:$0x18C40] =	vst v63  }
0xcb: {  	_ =	swait.ge [sflag:s16], $0x320  }
0xcc: {  	[sflag:s16] =	ssyncset.done $0x0  }
0xcd: {  	s26 =	sadd.s32 s19, s13;
	[sflag:s16] =	ssyncadd.s32 $0xFFFFFCE0  }
0xce: {  	[tilespmem:s18], [sflag:$0x5] =	stream.linear.gather [hbm4b:s26+s4], $0x320, $0x38;
	[tilespmem:$0x18C40] =	vst v63  }
0xcf: {  	_ =	swait.ge [sflag:s16], $0x320  }
0xd0: {  	[sflag:s16] =	ssyncset.done $0x0  }
.Ltmp4:
0xd1: {  	s31 =	simm.s32 $0x6A40;
	[sflag:s16] =	ssyncadd.s32 $0xFFFFFCE0;
	(pc) =	sbr.rel @p0 .LBB2_4-.Ltmp4, $4  }
0xd2: {  	[tilespmem:s31], [sflag:$0x5] =	stream.linear.gather [hbm4b:s7+s4], $0x3200, $0x38;
	[tilespmem:$0x18C40] =	vst v63  }
0xd3: {  	_ =	swait.ge [sflag:s16], $0x3200  }
0xd4: {  	[sflag:s16] =	ssyncset.done $0x0  }
0xd5: {  	[sflag:s16] =	ssyncadd.s32 $0xFFFFCE00  }
0xd6: {  	v0 =	vld [tilespmem:$0x0]  }
0xd7: {  	v1 =	vld [tilespmem:$0x10]  }
0xd8: {  	v2 =	vld [tilespmem:$0x20]  }
0xd9: {  	v3 =	vld [tilespmem:$0x30]  }
0xda: {  	v4 =	vld [tilespmem:$0x40]  }
0xdb: {  	v5 =	vld [tilespmem:$0x50];
	v0 =	vadd.s32 $0x2710, v0  }
0xdc: {  	v28 =	vld [tilespmem:$0x60];
	v27 =	vadd.s32 $0x2710, v1;
	[tilespmem:$0x0] =	vst v0  }
0xdd: {  	v30 =	vld [tilespmem:$0x70];
	v29 =	vadd.s32 $0x2710, v2;
	[tilespmem:$0x10] =	vst v27  }
0xde: {  	v32 =	vld [tilespmem:$0x80];
	v31 =	vadd.s32 $0x2710, v3;
	[tilespmem:$0x20] =	vst v29  }
0xdf: {  	v34 =	vld [tilespmem:$0x90];
	v33 =	vadd.s32 $0x2710, v4;
	[tilespmem:$0x30] =	vst v31  }
0xe0: {  	v36 =	vld [tilespmem:$0xA0];
	v35 =	vadd.s32 $0x2710, v5;
	[tilespmem:$0x40] =	vst v33  }
0xe1: {  	v38 =	vld [tilespmem:$0xB0];
	v37 =	vadd.s32 $0x2710, v28;
	[tilespmem:$0x50] =	vst v35  }
0xe2: {  	v40 =	vld [tilespmem:$0xC0];
	v39 =	vadd.s32 $0x2710, v30;
	[tilespmem:$0x60] =	vst v37  }
0xe3: {  	v42 =	vld [tilespmem:$0xD0];
	v41 =	vadd.s32 $0x2710, v32;
	[tilespmem:$0x70] =	vst v39  }
0xe4: {  	v44 =	vld [tilespmem:$0xE0];
	v43 =	vadd.s32 $0x2710, v34;
	[tilespmem:$0x80] =	vst v41  }
0xe5: {  	v46 =	vld [tilespmem:$0xF0];
	v45 =	vadd.s32 $0x2710, v36;
	[tilespmem:$0x90] =	vst v43  }
0xe6: {  	v48 =	vld [tilespmem:$0x100];
	v47 =	vadd.s32 $0x2710, v38;
	[tilespmem:$0xA0] =	vst v45  }
0xe7: {  	v50 =	vld [tilespmem:$0x110];
	v49 =	vadd.s32 $0x2710, v40;
	[tilespmem:$0xB0] =	vst v47  }
0xe8: {  	v52 =	vld [tilespmem:$0x120];
	v51 =	vadd.s32 $0x2710, v42;
	[tilespmem:$0xC0] =	vst v49  }
0xe9: {  	v54 =	vld [tilespmem:$0x130];
	v53 =	vadd.s32 $0x2710, v44;
	[tilespmem:$0xD0] =	vst v51  }
0xea: {  	v56 =	vld [tilespmem:$0x140];
	v55 =	vadd.s32 $0x2710, v46;
	[tilespmem:$0xE0] =	vst v53  }
0xeb: {  	v58 =	vld [tilespmem:$0x150];
	v57 =	vadd.s32 $0x2710, v48;
	[tilespmem:$0xF0] =	vst v55  }
0xec: {  	v60 =	vld [tilespmem:$0x160];
	v59 =	vadd.s32 $0x2710, v50;
	[tilespmem:$0x100] =	vst v57  }
0xed: {  	v62 =	vld [tilespmem:$0x170];
	v61 =	vadd.s32 $0x2710, v52;
	[tilespmem:$0x110] =	vst v59  }
0xee: {  	v8 =	vld [tilespmem:$0x180];
	v63 =	vadd.s32 $0x2710, v54;
	[tilespmem:$0x120] =	vst v61  }
0xef: {  	v10 =	vld [tilespmem:$0x190];
	v9 =	vadd.s32 $0x2710, v56;
	[tilespmem:$0x130] =	vst v63  }
0xf0: {  	v12 =	vld [tilespmem:$0x1A0];
	v11 =	vadd.s32 $0x2710, v58;
	[tilespmem:$0x140] =	vst v9  }
0xf1: {  	v14 =	vld [tilespmem:$0x1B0];
	v13 =	vadd.s32 $0x2710, v60;
	[tilespmem:$0x150] =	vst v11  }
0xf2: {  	v16 =	vld [tilespmem:$0x1C0];
	v15 =	vadd.s32 $0x2710, v62;
	[tilespmem:$0x160] =	vst v13  }
0xf3: {  	v18 =	vld [tilespmem:$0x1D0];
	v17 =	vadd.s32 $0x2710, v8;
	[tilespmem:$0x170] =	vst v15  }
0xf4: {  	v20 =	vld [tilespmem:$0x1E0];
	v19 =	vadd.s32 $0x2710, v10;
	[tilespmem:$0x180] =	vst v17  }
0xf5: {  	v22 =	vld [tilespmem:$0x1F0];
	v21 =	vadd.s32 $0x2710, v12;
	[tilespmem:$0x190] =	vst v19  }
0xf6: {  	v24 =	vld [tilespmem:$0x200];
	v23 =	vadd.s32 $0x2710, v14;
	[tilespmem:$0x1A0] =	vst v21  }
0xf7: {  	v26 =	vld [tilespmem:$0x210];
	v25 =	vadd.s32 $0x2710, v16;
	[tilespmem:$0x1B0] =	vst v23  }
0xf8: {  	v28 =	vld [tilespmem:$0x220];
	[tilespmem:$0x1C0] =	vst v25;
	v27 =	vadd.s32 $0x2710, v18  }
0xf9: {  	v30 =	vld [tilespmem:$0x230];
	v29 =	vadd.s32 $0x2710, v20;
	[tilespmem:$0x1D0] =	vst v27  }
0xfa: {  	v32 =	vld [tilespmem:$0x240];
	v31 =	vadd.s32 $0x2710, v22;
	[tilespmem:$0x1E0] =	vst v29  }
0xfb: {  	v34 =	vld [tilespmem:$0x250];
	v33 =	vadd.s32 $0x2710, v24;
	[tilespmem:$0x1F0] =	vst v31  }
0xfc: {  	v36 =	vld [tilespmem:$0x260];
	v35 =	vadd.s32 $0x2710, v26;
	[tilespmem:$0x200] =	vst v33  }
0xfd: {  	v38 =	vld [tilespmem:$0x270];
	[tilespmem:$0x210] =	vst v35;
	v37 =	vadd.s32 $0x2710, v28  }
0xfe: {  	v40 =	vld [tilespmem:$0x280];
	v39 =	vadd.s32 $0x2710, v30;
	[tilespmem:$0x220] =	vst v37  }
0xff: {  	v42 =	vld [tilespmem:$0x290];
	v41 =	vadd.s32 $0x2710, v32;
	[tilespmem:$0x230] =	vst v39  }
0x100: {  	v44 =	vld [tilespmem:$0x2A0];
	v43 =	vadd.s32 $0x2710, v34;
	[tilespmem:$0x240] =	vst v41  }
0x101: {  	v46 =	vld [tilespmem:$0x2B0];
	v45 =	vadd.s32 $0x2710, v36;
	[tilespmem:$0x250] =	vst v43  }
0x102: {  	v48 =	vld [tilespmem:$0x2C0];
	v47 =	vadd.s32 $0x2710, v38;
	[tilespmem:$0x260] =	vst v45  }
0x103: {  	v50 =	vld [tilespmem:$0x2D0];
	v49 =	vadd.s32 $0x2710, v40;
	[tilespmem:$0x270] =	vst v47  }
0x104: {  	v52 =	vld [tilespmem:$0x2E0];
	v51 =	vadd.s32 $0x2710, v42;
	[tilespmem:$0x280] =	vst v49  }
0x105: {  	v54 =	vld [tilespmem:$0x2F0];
	v53 =	vadd.s32 $0x2710, v44;
	[tilespmem:$0x290] =	vst v51  }
0x106: {  	v56 =	vld [tilespmem:$0x300];
	v55 =	vadd.s32 $0x2710, v46;
	[tilespmem:$0x2A0] =	vst v53  }
0x107: {  	v58 =	vld [tilespmem:$0x310];
	v57 =	vadd.s32 $0x2710, v48;
	[tilespmem:$0x2B0] =	vst v55  }
0x108: {  	v59 =	vadd.s32 $0x2710, v50;
	[tilespmem:$0x2C0] =	vst v57  }
.Ltmp5:
0x109: {  	v60 =	vadd.s32 $0x2710, v52;
	[tilespmem:$0x2D0] =	vst v59;
	(pc) =	sbr.rel .LBB2_4-.Ltmp5, $4  }
0x10a: {  	v61 =	vadd.s32 $0x2710, v54;
	[tilespmem:$0x2E0] =	vst v60  }
0x10b: {  	v62 =	vadd.s32 $0x2710, v56;
	[tilespmem:$0x2F0] =	vst v61  }
0x10c: {  	v63 =	vadd.s32 $0x2710, v58;
	[tilespmem:$0x300] =	vst v62  }
0x10d: {  	[tilespmem:$0x310] =	vst v63  }
.LBB2_6:
0x10e: {  	_ =	sfence.sel $0x180000  }
0x10f: {  	[bflag:$0x0] =	sbarrier.arrive $0xFFFF  }
0x110: {  	_ =	strace $0x90000047  }
0x111: {  	s0 =	stileid.u32;
	[bflag:$0x2] =	sbarrier.arrive $0xFFFF  }
0x112: {  	p0 =	sne.s32 s0, $0x0;
	s0 =	rddreg [dreg:$0x4]  }
0x113: {  	s0 =	sadd.s32 @!p0 $0x100000, s0  }
0x114: {  	[sflag:s0] =	ssyncadd.tile.s32 @!p0 $0x1;
	_ =	shalt  }
.Lfunc_end2:
_tile_overlayer_lowered:
.L_overlay_start_2:
0x115: {  	(tag) =	ssettag $0x2  }
0x116: {  	s0 =	rddreg [dreg:$0x0];
	s2 =	stileid.u32  }
0x117: {  	s1 =	rddreg [dreg:$0x1];
	p0 =	sne.s32 s2, $0x0  }
0x118: {  	s3 =	rddreg [dreg:$0x2];
	[bflag:$0x3] =	sbarrier.arrive $0xFFFF;
	s2 =	simm.s32 @!p0 $0x1C05  }
0x119: {  	[timem:s3], [sflag:s2] =	dma.local @!p0 [hbm:s0], s1  }
0x11a: {  	s0 =	simm.s32 @!p0 $0x5  }
0x11b: {  	_ =	swait.ge @!p0 [sflag:s0], s1  }
0x11c: {  	s1 =	ssub.s32 @!p0 $0x0, s1;
	[sflag:s0] =	ssyncset.done @!p0 $0x0  }
0x11d: {  	[sflag:s0] =	ssyncadd.s32 @!p0 s1  }
0x11e: {  	[bflag:$0x3] =	sbarrier.arrive $0xFFFF  }
0x11f: {  	_ =	shalt  }

</sc_bundles>
